<compile_context>
chip_gen: v7x
topology: tpu7x:2x2x1
jax: 0.10.2.dev20260603
libtpu: 0.0.44.dev20260713+nightly
codegen_flags: <defaults>
</compile_context>

<pallas_src>
import functools

import jax
import jax.numpy as jnp
from jax import lax
from jax.experimental import pallas as pl
from jax.experimental.pallas import tpu as pltpu
from jax.experimental.pallas import tpu_sc as plsc

N_NODES = 10000
N_EDGES = 320000
D = 128

NC = 2
NS = 16
NW = NC * NS
GROUP = 128
ROWS_PER_TILE = 80
E_PAD = NW * ROWS_PER_TILE * GROUP
R_TOTAL = E_PAD // GROUP
ZCHUNK = 640
AGG_ROWS = NS * ZCHUNK
CH = 128
NSTRIPE = ZCHUNK // CH


def _sc_aggregate(x, src2d, dst2d, sidx, zfeat, ones128):
    mesh = plsc.VectorSubcoreMesh(core_axis_name="c", subcore_axis_name="s")

    @functools.partial(
        pl.kernel,
        mesh=mesh,
        out_type=[
            jax.ShapeDtypeStruct((NC * AGG_ROWS, D), jnp.float32),
            jax.ShapeDtypeStruct((NC * AGG_ROWS, D), jnp.float32),
        ],
        scratch_types=[
            pltpu.VMEM((8, GROUP), jnp.int32),
            pltpu.VMEM((8, GROUP), jnp.int32),
            pltpu.VMEM((8, GROUP), jnp.int32),
            pltpu.VMEM((GROUP, D), jnp.float32),
            pltpu.VMEM((GROUP, D), jnp.float32),
            pltpu.VMEM_SHARED((AGG_ROWS, D), jnp.float32),
            pltpu.SemaphoreType.DMA,
            pltpu.SemaphoreType.DMA,
        ],
    )
    def k(x_hbm, src_hbm, dst_hbm, sidx_hbm, zf_hbm, ones_hbm,
          agg_hbm, deg_hbm,
          src_v, dst_v, sidx_v, rows_v, rows2_v, agg_s, sem, sem2):
        cid = lax.axis_index("c")
        sid = lax.axis_index("s")
        wid = sid * NC + cid
        row_base = wid * ROWS_PER_TILE
        obase = cid * AGG_ROWS + sid * ZCHUNK

        pltpu.sync_copy(zf_hbm, rows_v)
        pltpu.sync_copy(sidx_hbm.at[sid], sidx_v)
        for i in range(NSTRIPE):
            pltpu.sync_copy(rows_v, agg_s.at[sidx_v.at[i]])
        plsc.subcore_barrier()

        bufs = (rows_v, rows2_v)
        sems = (sem, sem2)

        def body(rb, carry):
            row = pl.multiple_of(row_base + rb * 8, 8)
            pltpu.sync_copy(src_hbm.at[pl.ds(row, 8)], src_v)
            pltpu.sync_copy(dst_hbm.at[pl.ds(row, 8)], dst_v)
            pltpu.async_copy(x_hbm.at[src_v.at[0]], rows_v, sem)
            for j in range(8):
                b, s = bufs[j % 2], sems[j % 2]
                pltpu.make_async_copy(x_hbm.at[src_v.at[j]], b, s).wait()
                if j < 7:
                    pltpu.async_copy(x_hbm.at[src_v.at[j + 1]],
                                     bufs[(j + 1) % 2], sems[(j + 1) % 2])
                pltpu.sync_copy(b, agg_s.at[dst_v.at[j]], add=True)
            return carry

        lax.fori_loop(0, ROWS_PER_TILE // 8, body, 0)
        plsc.subcore_barrier()

        for i in range(NSTRIPE):
            pltpu.sync_copy(agg_s.at[sidx_v.at[i]], rows_v)
            pltpu.sync_copy(rows_v, agg_hbm.at[pl.ds(obase + i * CH, CH)])
        pltpu.sync_copy(zf_hbm, rows_v)
        for i in range(NSTRIPE):
            pltpu.sync_copy(rows_v, agg_s.at[sidx_v.at[i]])
        pltpu.sync_copy(ones_hbm, rows_v)
        plsc.subcore_barrier()

        def body2(rb, carry):
            row = pl.multiple_of(row_base + rb * 8, 8)
            pltpu.sync_copy(dst_hbm.at[pl.ds(row, 8)], dst_v)
            for j in range(8):
                pltpu.async_copy(rows_v, agg_s.at[dst_v.at[j]], sem,
                                 add=True)
            for j in range(8):
                pltpu.make_async_copy(rows_v, agg_s.at[dst_v.at[j]],
                                      sem).wait()
            return carry

        lax.fori_loop(0, ROWS_PER_TILE // 8, body2, 0)
        plsc.subcore_barrier()

        for i in range(NSTRIPE):
            pltpu.sync_copy(agg_s.at[sidx_v.at[i]], rows_v)
            pltpu.sync_copy(rows_v, deg_hbm.at[pl.ds(obase + i * CH, CH)])

    return k(x, src2d, dst2d, sidx, zfeat, ones128)


BN = 1000


def _tc_body(x_ref, a0_ref, a1_ref, d0_ref, d1_ref, ws_ref, wn_ref, b_ref,
             o_ref):
    deg = jnp.maximum(d0_ref[...] + d1_ref[...], 1.0)
    h = (a0_ref[...] + a1_ref[...]) / deg
    acc = jnp.dot(x_ref[...], ws_ref[...], preferred_element_type=jnp.float32)
    acc = acc + jnp.dot(h, wn_ref[...], preferred_element_type=jnp.float32)
    o_ref[...] = jnp.maximum(acc + b_ref[...], 0.0)


def _tc_combine(x, a0, a1, d0, d1, W_self, W_neigh, b2d):
    grid = (N_NODES // BN,)
    return pl.pallas_call(
        _tc_body,
        grid=grid,
        in_specs=[
            pl.BlockSpec((BN, D), lambda i: (i, 0)),
            pl.BlockSpec((BN, D), lambda i: (i, 0)),
            pl.BlockSpec((BN, D), lambda i: (i, 0)),
            pl.BlockSpec((BN, 1), lambda i: (i, 0)),
            pl.BlockSpec((BN, 1), lambda i: (i, 0)),
            pl.BlockSpec((D, D), lambda i: (0, 0)),
            pl.BlockSpec((D, D), lambda i: (0, 0)),
            pl.BlockSpec((1, D), lambda i: (0, 0)),
        ],
        out_specs=pl.BlockSpec((BN, D), lambda i: (i, 0)),
        out_shape=jax.ShapeDtypeStruct((N_NODES, D), jnp.float32),
    )(x, a0, a1, d0, d1, W_self, W_neigh, b2d)


def kernel(x, edge_index, W_self, W_neigh, b):
    src = edge_index[0].astype(jnp.int32)
    dst = edge_index[1].astype(jnp.int32)
    pad = E_PAD - N_EDGES
    src_p = jnp.concatenate([src, jnp.zeros((pad,), jnp.int32)])
    dst_p = jnp.concatenate([dst, jnp.full((pad,), N_NODES, jnp.int32)])
    src2d = src_p.reshape(R_TOTAL, GROUP)
    dst2d = dst_p.reshape(R_TOTAL, GROUP)
    zfeat = jnp.zeros((GROUP, D), jnp.float32)
    ones128 = jnp.ones((GROUP, D), jnp.float32)
    sidx = (jnp.arange(NS, dtype=jnp.int32)[:, None, None] * ZCHUNK
            + jnp.minimum(jnp.arange(8, dtype=jnp.int32), NSTRIPE - 1)[None, :, None] * CH
            + jnp.arange(GROUP, dtype=jnp.int32)[None, None, :])

    agg, deg = _sc_aggregate(x, src2d, dst2d, sidx, zfeat, ones128)
    a0 = agg[:N_NODES]
    a1 = agg[AGG_ROWS:AGG_ROWS + N_NODES]
    d0 = deg[:N_NODES, 0:1]
    d1 = deg[AGG_ROWS:AGG_ROWS + N_NODES, 0:1]
    return _tc_combine(x, a0, a1, d0, d1, W_self, W_neigh, b.reshape(1, D))

# --- scband reference (transcript-rebuilt; emitter-appended) ---
"""Pipeline reference for scband-sage-body-26671746908237 (READ-ONLY COPY).

The authoritative reference and input builder live on the scoring server;
editing this copy changes nothing except your own understanding.
"""

import jax, jax.numpy as jnp
import numpy as np

N_NODES = 10000
N_EDGES = 320000
D_FEAT = 128
D_HID = 128

def setup_inputs(seed: int = 0) -> dict:
    key = jax.random.key(seed)
    k1, k2, k3, k4, k5 = jax.random.split(key, 5)
    x = jax.random.normal(k1, (N_NODES, D_FEAT), dtype=jnp.float32)
    edge_index = jax.random.randint(k2, (2, N_EDGES), 0, N_NODES, dtype=jnp.int64)
    # DGL SAGEConv('mean') params: fc_self (no bias), fc_neigh (no bias), shared bias
    W_self = jax.random.normal(k3, (D_FEAT, D_HID), dtype=jnp.float32) * (1.0 / np.sqrt(D_FEAT))
    W_neigh = jax.random.normal(k4, (D_FEAT, D_HID), dtype=jnp.float32) * (1.0 / np.sqrt(D_FEAT))
    b = jax.random.normal(k5, (D_HID,), dtype=jnp.float32) * 0.01
    return {"x": x, "edge_index": edge_index, "W_self": W_self, "W_neigh": W_neigh, "b": b}

def reference(x, edge_index, W_self, W_neigh, b):
    # SAGEConv with 'mean' aggregator, followed by ReLU transition
    src = edge_index[0]
    dst = edge_index[1]
    msgs = jnp.take(x, src, axis=0)                       # gather source node feats per edge
    agg = jax.ops.segment_sum(msgs, dst, num_segments=N_NODES)   # scatter-add to dst
    deg = jax.ops.segment_sum(jnp.ones((msgs.shape[0],), dtype=x.dtype), dst, num_segments=N_NODES)
    h_neigh = agg / jnp.maximum(deg, 1.0)[:, None]        # mean aggregation
    out = x @ W_self + h_neigh @ W_neigh + b
    return jax.nn.relu(out)

if __name__ == "__main__":
    import jax
    _d = setup_inputs()
    print(jax.jit(kernel)(*tuple(_d.values())))

</pallas_src>

<mosaic_0001>
#map = affine_map<(d0, d1) -> (0, 0)>
#map1 = affine_map<(d0, d1) -> (0, 0, 0)>
module attributes {stable_mosaic.version = 14 : i64} {
  func.func @k(%arg0: i32, %arg1: i32, %arg2: memref<10000x128xf32, #tpu.memory_space<hbm>>, %arg3: memref<2560x128xi32, #tpu.memory_space<hbm>>, %arg4: memref<2560x128xi32, #tpu.memory_space<hbm>>, %arg5: memref<16x8x128xi32, #tpu.memory_space<hbm>>, %arg6: memref<128x128xf32, #tpu.memory_space<hbm>>, %arg7: memref<128x128xf32, #tpu.memory_space<hbm>>, %arg8: memref<20480x128xf32, #tpu.memory_space<hbm>>, %arg9: memref<20480x128xf32, #tpu.memory_space<hbm>>, %arg10: memref<8x128xi32, #tpu.memory_space<vmem>>, %arg11: memref<8x128xi32, #tpu.memory_space<vmem>>, %arg12: memref<8x128xi32, #tpu.memory_space<vmem>>, %arg13: memref<128x128xf32, #tpu.memory_space<vmem>>, %arg14: memref<128x128xf32, #tpu.memory_space<vmem>>, %arg15: memref<10240x128xf32, #tpu.memory_space<vmem_shared>>, %arg16: memref<!tpu.dma_semaphore, #tpu.memory_space<semaphore_mem>>, %arg17: memref<!tpu.dma_semaphore, #tpu.memory_space<semaphore_mem>>) attributes {dimension_semantics = [#tpu.dimension_semantics<core_parallel>, #tpu.dimension_semantics<subcore_parallel>], iteration_bounds = array<i64: 2, 16>, scalar_prefetch = 0 : i64, scratch_operands = 8 : i64, tpu.core_type = #tpu.core_type<sc_vector_subcore>, window_params = [{transform_indices = #map}, {transform_indices = #map}, {transform_indices = #map}, {transform_indices = #map1}, {transform_indices = #map}, {transform_indices = #map}, {transform_indices = #map}, {transform_indices = #map}]} {
    %mul3A = arith.constant 2 : i32
    %mul3A_0 = arith.muli %arg1, %mul3A : i32
    %add3A = arith.addi %mul3A_0, %arg0 : i32
    %mul3A_1 = arith.constant 80 : i32
    %mul3A_2 = arith.muli %add3A, %mul3A_1 : i32
    %mul3A_3 = arith.constant 10240 : i32
    %mul3A_4 = arith.muli %arg0, %mul3A_3 : i32
    %mul3A_5 = arith.constant 640 : i32
    %mul3A_6 = arith.muli %arg1, %mul3A_5 : i32
    %add3A_7 = arith.addi %mul3A_4, %mul3A_6 : i32
    "tpu.region"() ({
      %run_scoped3A_61 = tpu.sem_alloc : memref<!tpu.dma_semaphore, #tpu.memory_space<semaphore_mem>>
      tpu.enqueue_dma source(%arg6 : memref<128x128xf32, #tpu.memory_space<hbm>>) target(%arg13 : memref<128x128xf32, #tpu.memory_space<vmem>>) target_semaphore(%run_scoped3A_61 : memref<!tpu.dma_semaphore, #tpu.memory_space<semaphore_mem>>)
      tpu.wait_dma2 semaphore(%run_scoped3A_61 : memref<!tpu.dma_semaphore, #tpu.memory_space<semaphore_mem>>) src(%arg6 : memref<128x128xf32, #tpu.memory_space<hbm>>) dst(%arg13 : memref<128x128xf32, #tpu.memory_space<vmem>>)
      tpu.yield
    }) : () -> ()
    "tpu.region"() ({
      %run_scoped3A_61 = tpu.sem_alloc : memref<!tpu.dma_semaphore, #tpu.memory_space<semaphore_mem>>
      %dma_start3A = arith.constant 0 : i32
      %dma_start3A_62 = arith.constant 0 : i32
      %dma_start3A_63 = tpu.memref_slice %arg5[%arg1, %dma_start3A, %dma_start3A_62] : memref<16x8x128xi32, #tpu.memory_space<hbm>> -> memref<1x8x128xi32, #tpu.memory_space<hbm>>
      %dma_start3A_64 = tpu.memref_squeeze %dma_start3A_63 : memref<1x8x128xi32, #tpu.memory_space<hbm>> -> memref<8x128xi32, #tpu.memory_space<hbm>>
      %dma_start3A_65 = arith.constant 0 : i32
      %dma_start3A_66 = arith.constant 0 : i32
      %dma_start3A_67 = tpu.memref_slice %arg5[%arg1, %dma_start3A_65, %dma_start3A_66] : memref<16x8x128xi32, #tpu.memory_space<hbm>> -> memref<1x8x128xi32, #tpu.memory_space<hbm>>
      %dma_start3A_68 = tpu.memref_squeeze %dma_start3A_67 : memref<1x8x128xi32, #tpu.memory_space<hbm>> -> memref<8x128xi32, #tpu.memory_space<hbm>>
      tpu.enqueue_dma source(%dma_start3A_68 : memref<8x128xi32, #tpu.memory_space<hbm>>) target(%arg12 : memref<8x128xi32, #tpu.memory_space<vmem>>) target_semaphore(%run_scoped3A_61 : memref<!tpu.dma_semaphore, #tpu.memory_space<semaphore_mem>>)
      %dma_wait3A = arith.constant 0 : i32
      %dma_wait3A_69 = arith.constant 0 : i32
      %dma_wait3A_70 = tpu.memref_slice %arg5[%arg1, %dma_wait3A, %dma_wait3A_69] : memref<16x8x128xi32, #tpu.memory_space<hbm>> -> memref<1x8x128xi32, #tpu.memory_space<hbm>>
      %dma_wait3A_71 = tpu.memref_squeeze %dma_wait3A_70 : memref<1x8x128xi32, #tpu.memory_space<hbm>> -> memref<8x128xi32, #tpu.memory_space<hbm>>
      %dma_wait3A_72 = arith.constant 0 : i32
      %dma_wait3A_73 = arith.constant 0 : i32
      %dma_wait3A_74 = tpu.memref_slice %arg5[%arg1, %dma_wait3A_72, %dma_wait3A_73] : memref<16x8x128xi32, #tpu.memory_space<hbm>> -> memref<1x8x128xi32, #tpu.memory_space<hbm>>
      %dma_wait3A_75 = tpu.memref_squeeze %dma_wait3A_74 : memref<1x8x128xi32, #tpu.memory_space<hbm>> -> memref<8x128xi32, #tpu.memory_space<hbm>>
      tpu.wait_dma2 semaphore(%run_scoped3A_61 : memref<!tpu.dma_semaphore, #tpu.memory_space<semaphore_mem>>) src(%dma_wait3A_75 : memref<8x128xi32, #tpu.memory_space<hbm>>) dst(%arg12 : memref<8x128xi32, #tpu.memory_space<vmem>>)
      tpu.yield
    }) : () -> ()
    %run_scoped3A = arith.constant 0 : i32
    "tpu.region"() ({
      %run_scoped3A_61 = tpu.sem_alloc : memref<!tpu.dma_semaphore, #tpu.memory_space<semaphore_mem>>
      %dma_start3A = arith.constant 0 : i32
      %dma_start3A_62 = tpu.memref_slice %arg12[%run_scoped3A, %dma_start3A] : memref<8x128xi32, #tpu.memory_space<vmem>> -> memref<1x128xi32, #tpu.memory_space<vmem>>
      %dma_start3A_63 = tpu.memref_squeeze %dma_start3A_62 : memref<1x128xi32, #tpu.memory_space<vmem>> -> memref<128xi32, #tpu.memory_space<vmem>>
      %dma_start3A_64 = arith.constant 0 : i32
      %dma_start3A_65 = arith.constant 0 : i32
      %dma_start3A_66 = tpu.memref_slice %arg15[%dma_start3A_64, %dma_start3A_65] : memref<10240x128xf32, #tpu.memory_space<vmem_shared>> -> memref<10240x128xf32, #tpu.memory_space<vmem_shared>>
      tpu.enqueue_indirect_dma source(%arg13 : memref<128x128xf32, #tpu.memory_space<vmem>>) target(%dma_start3A_66 : memref<10240x128xf32, #tpu.memory_space<vmem_shared>>) offsets(%dma_start3A_63 : memref<128xi32, #tpu.memory_space<vmem>>) semaphore(%run_scoped3A_61 : memref<!tpu.dma_semaphore, #tpu.memory_space<semaphore_mem>>)
      %dma_wait3A = arith.constant 0 : i32
      %dma_wait3A_67 = tpu.memref_slice %arg12[%run_scoped3A, %dma_wait3A] : memref<8x128xi32, #tpu.memory_space<vmem>> -> memref<1x128xi32, #tpu.memory_space<vmem>>
      %dma_wait3A_68 = tpu.memref_squeeze %dma_wait3A_67 : memref<1x128xi32, #tpu.memory_space<vmem>> -> memref<128xi32, #tpu.memory_space<vmem>>
      %dma_wait3A_69 = arith.constant 0 : i32
      %dma_wait3A_70 = arith.constant 0 : i32
      %dma_wait3A_71 = tpu.memref_slice %arg15[%dma_wait3A_69, %dma_wait3A_70] : memref<10240x128xf32, #tpu.memory_space<vmem_shared>> -> memref<10240x128xf32, #tpu.memory_space<vmem_shared>>
      tpu.wait_indirect_dma semaphore(%run_scoped3A_61 : memref<!tpu.dma_semaphore, #tpu.memory_space<semaphore_mem>>) src(%arg13 : memref<128x128xf32, #tpu.memory_space<vmem>>) dst(%dma_wait3A_71 : memref<10240x128xf32, #tpu.memory_space<vmem_shared>>)
      tpu.yield
    }) : () -> ()
    %run_scoped3A_8 = arith.constant 1 : i32
    "tpu.region"() ({
      %run_scoped3A_61 = tpu.sem_alloc : memref<!tpu.dma_semaphore, #tpu.memory_space<semaphore_mem>>
      %dma_start3A = arith.constant 0 : i32
      %dma_start3A_62 = tpu.memref_slice %arg12[%run_scoped3A_8, %dma_start3A] : memref<8x128xi32, #tpu.memory_space<vmem>> -> memref<1x128xi32, #tpu.memory_space<vmem>>
      %dma_start3A_63 = tpu.memref_squeeze %dma_start3A_62 : memref<1x128xi32, #tpu.memory_space<vmem>> -> memref<128xi32, #tpu.memory_space<vmem>>
      %dma_start3A_64 = arith.constant 0 : i32
      %dma_start3A_65 = arith.constant 0 : i32
      %dma_start3A_66 = tpu.memref_slice %arg15[%dma_start3A_64, %dma_start3A_65] : memref<10240x128xf32, #tpu.memory_space<vmem_shared>> -> memref<10240x128xf32, #tpu.memory_space<vmem_shared>>
      tpu.enqueue_indirect_dma source(%arg13 : memref<128x128xf32, #tpu.memory_space<vmem>>) target(%dma_start3A_66 : memref<10240x128xf32, #tpu.memory_space<vmem_shared>>) offsets(%dma_start3A_63 : memref<128xi32, #tpu.memory_space<vmem>>) semaphore(%run_scoped3A_61 : memref<!tpu.dma_semaphore, #tpu.memory_space<semaphore_mem>>)
      %dma_wait3A = arith.constant 0 : i32
      %dma_wait3A_67 = tpu.memref_slice %arg12[%run_scoped3A_8, %dma_wait3A] : memref<8x128xi32, #tpu.memory_space<vmem>> -> memref<1x128xi32, #tpu.memory_space<vmem>>
      %dma_wait3A_68 = tpu.memref_squeeze %dma_wait3A_67 : memref<1x128xi32, #tpu.memory_space<vmem>> -> memref<128xi32, #tpu.memory_space<vmem>>
      %dma_wait3A_69 = arith.constant 0 : i32
      %dma_wait3A_70 = arith.constant 0 : i32
      %dma_wait3A_71 = tpu.memref_slice %arg15[%dma_wait3A_69, %dma_wait3A_70] : memref<10240x128xf32, #tpu.memory_space<vmem_shared>> -> memref<10240x128xf32, #tpu.memory_space<vmem_shared>>
      tpu.wait_indirect_dma semaphore(%run_scoped3A_61 : memref<!tpu.dma_semaphore, #tpu.memory_space<semaphore_mem>>) src(%arg13 : memref<128x128xf32, #tpu.memory_space<vmem>>) dst(%dma_wait3A_71 : memref<10240x128xf32, #tpu.memory_space<vmem_shared>>)
      tpu.yield
    }) : () -> ()
    %run_scoped3A_9 = arith.constant 2 : i32
    "tpu.region"() ({
      %run_scoped3A_61 = tpu.sem_alloc : memref<!tpu.dma_semaphore, #tpu.memory_space<semaphore_mem>>
      %dma_start3A = arith.constant 0 : i32
      %dma_start3A_62 = tpu.memref_slice %arg12[%run_scoped3A_9, %dma_start3A] : memref<8x128xi32, #tpu.memory_space<vmem>> -> memref<1x128xi32, #tpu.memory_space<vmem>>
      %dma_start3A_63 = tpu.memref_squeeze %dma_start3A_62 : memref<1x128xi32, #tpu.memory_space<vmem>> -> memref<128xi32, #tpu.memory_space<vmem>>
      %dma_start3A_64 = arith.constant 0 : i32
      %dma_start3A_65 = arith.constant 0 : i32
      %dma_start3A_66 = tpu.memref_slice %arg15[%dma_start3A_64, %dma_start3A_65] : memref<10240x128xf32, #tpu.memory_space<vmem_shared>> -> memref<10240x128xf32, #tpu.memory_space<vmem_shared>>
      tpu.enqueue_indirect_dma source(%arg13 : memref<128x128xf32, #tpu.memory_space<vmem>>) target(%dma_start3A_66 : memref<10240x128xf32, #tpu.memory_space<vmem_shared>>) offsets(%dma_start3A_63 : memref<128xi32, #tpu.memory_space<vmem>>) semaphore(%run_scoped3A_61 : memref<!tpu.dma_semaphore, #tpu.memory_space<semaphore_mem>>)
      %dma_wait3A = arith.constant 0 : i32
      %dma_wait3A_67 = tpu.memref_slice %arg12[%run_scoped3A_9, %dma_wait3A] : memref<8x128xi32, #tpu.memory_space<vmem>> -> memref<1x128xi32, #tpu.memory_space<vmem>>
      %dma_wait3A_68 = tpu.memref_squeeze %dma_wait3A_67 : memref<1x128xi32, #tpu.memory_space<vmem>> -> memref<128xi32, #tpu.memory_space<vmem>>
      %dma_wait3A_69 = arith.constant 0 : i32
      %dma_wait3A_70 = arith.constant 0 : i32
      %dma_wait3A_71 = tpu.memref_slice %arg15[%dma_wait3A_69, %dma_wait3A_70] : memref<10240x128xf32, #tpu.memory_space<vmem_shared>> -> memref<10240x128xf32, #tpu.memory_space<vmem_shared>>
      tpu.wait_indirect_dma semaphore(%run_scoped3A_61 : memref<!tpu.dma_semaphore, #tpu.memory_space<semaphore_mem>>) src(%arg13 : memref<128x128xf32, #tpu.memory_space<vmem>>) dst(%dma_wait3A_71 : memref<10240x128xf32, #tpu.memory_space<vmem_shared>>)
      tpu.yield
    }) : () -> ()
    %run_scoped3A_10 = arith.constant 3 : i32
    "tpu.region"() ({
      %run_scoped3A_61 = tpu.sem_alloc : memref<!tpu.dma_semaphore, #tpu.memory_space<semaphore_mem>>
      %dma_start3A = arith.constant 0 : i32
      %dma_start3A_62 = tpu.memref_slice %arg12[%run_scoped3A_10, %dma_start3A] : memref<8x128xi32, #tpu.memory_space<vmem>> -> memref<1x128xi32, #tpu.memory_space<vmem>>
      %dma_start3A_63 = tpu.memref_squeeze %dma_start3A_62 : memref<1x128xi32, #tpu.memory_space<vmem>> -> memref<128xi32, #tpu.memory_space<vmem>>
      %dma_start3A_64 = arith.constant 0 : i32
      %dma_start3A_65 = arith.constant 0 : i32
      %dma_start3A_66 = tpu.memref_slice %arg15[%dma_start3A_64, %dma_start3A_65] : memref<10240x128xf32, #tpu.memory_space<vmem_shared>> -> memref<10240x128xf32, #tpu.memory_space<vmem_shared>>
      tpu.enqueue_indirect_dma source(%arg13 : memref<128x128xf32, #tpu.memory_space<vmem>>) target(%dma_start3A_66 : memref<10240x128xf32, #tpu.memory_space<vmem_shared>>) offsets(%dma_start3A_63 : memref<128xi32, #tpu.memory_space<vmem>>) semaphore(%run_scoped3A_61 : memref<!tpu.dma_semaphore, #tpu.memory_space<semaphore_mem>>)
      %dma_wait3A = arith.constant 0 : i32
      %dma_wait3A_67 = tpu.memref_slice %arg12[%run_scoped3A_10, %dma_wait3A] : memref<8x128xi32, #tpu.memory_space<vmem>> -> memref<1x128xi32, #tpu.memory_space<vmem>>
      %dma_wait3A_68 = tpu.memref_squeeze %dma_wait3A_67 : memref<1x128xi32, #tpu.memory_space<vmem>> -> memref<128xi32, #tpu.memory_space<vmem>>
      %dma_wait3A_69 = arith.constant 0 : i32
      %dma_wait3A_70 = arith.constant 0 : i32
      %dma_wait3A_71 = tpu.memref_slice %arg15[%dma_wait3A_69, %dma_wait3A_70] : memref<10240x128xf32, #tpu.memory_space<vmem_shared>> -> memref<10240x128xf32, #tpu.memory_space<vmem_shared>>
      tpu.wait_indirect_dma semaphore(%run_scoped3A_61 : memref<!tpu.dma_semaphore, #tpu.memory_space<semaphore_mem>>) src(%arg13 : memref<128x128xf32, #tpu.memory_space<vmem>>) dst(%dma_wait3A_71 : memref<10240x128xf32, #tpu.memory_space<vmem_shared>>)
      tpu.yield
    }) : () -> ()
    %run_scoped3A_11 = arith.constant 4 : i32
    "tpu.region"() ({
      %run_scoped3A_61 = tpu.sem_alloc : memref<!tpu.dma_semaphore, #tpu.memory_space<semaphore_mem>>
      %dma_start3A = arith.constant 0 : i32
      %dma_start3A_62 = tpu.memref_slice %arg12[%run_scoped3A_11, %dma_start3A] : memref<8x128xi32, #tpu.memory_space<vmem>> -> memref<1x128xi32, #tpu.memory_space<vmem>>
      %dma_start3A_63 = tpu.memref_squeeze %dma_start3A_62 : memref<1x128xi32, #tpu.memory_space<vmem>> -> memref<128xi32, #tpu.memory_space<vmem>>
      %dma_start3A_64 = arith.constant 0 : i32
      %dma_start3A_65 = arith.constant 0 : i32
      %dma_start3A_66 = tpu.memref_slice %arg15[%dma_start3A_64, %dma_start3A_65] : memref<10240x128xf32, #tpu.memory_space<vmem_shared>> -> memref<10240x128xf32, #tpu.memory_space<vmem_shared>>
      tpu.enqueue_indirect_dma source(%arg13 : memref<128x128xf32, #tpu.memory_space<vmem>>) target(%dma_start3A_66 : memref<10240x128xf32, #tpu.memory_space<vmem_shared>>) offsets(%dma_start3A_63 : memref<128xi32, #tpu.memory_space<vmem>>) semaphore(%run_scoped3A_61 : memref<!tpu.dma_semaphore, #tpu.memory_space<semaphore_mem>>)
      %dma_wait3A = arith.constant 0 : i32
      %dma_wait3A_67 = tpu.memref_slice %arg12[%run_scoped3A_11, %dma_wait3A] : memref<8x128xi32, #tpu.memory_space<vmem>> -> memref<1x128xi32, #tpu.memory_space<vmem>>
      %dma_wait3A_68 = tpu.memref_squeeze %dma_wait3A_67 : memref<1x128xi32, #tpu.memory_space<vmem>> -> memref<128xi32, #tpu.memory_space<vmem>>
      %dma_wait3A_69 = arith.constant 0 : i32
      %dma_wait3A_70 = arith.constant 0 : i32
      %dma_wait3A_71 = tpu.memref_slice %arg15[%dma_wait3A_69, %dma_wait3A_70] : memref<10240x128xf32, #tpu.memory_space<vmem_shared>> -> memref<10240x128xf32, #tpu.memory_space<vmem_shared>>
      tpu.wait_indirect_dma semaphore(%run_scoped3A_61 : memref<!tpu.dma_semaphore, #tpu.memory_space<semaphore_mem>>) src(%arg13 : memref<128x128xf32, #tpu.memory_space<vmem>>) dst(%dma_wait3A_71 : memref<10240x128xf32, #tpu.memory_space<vmem_shared>>)
      tpu.yield
    }) : () -> ()
    %barrier3A = arith.constant 0 : index
    tpu.barrier barrier_id(%barrier3A)
    %scan3A = arith.constant 0 : i32
    %scan3A_12 = arith.constant 0 : i32
    %scan3A_13 = arith.constant 10 : i32
    %scan3A_14 = arith.addi %scan3A_12, %scan3A_13 : i32
    %scan3A_15 = arith.constant 1 : i32
    scf.for %scan3A_61 = %scan3A_12 to %scan3A_14 step %scan3A_15  : i32 {
      %mul3A_62 = arith.constant 8 : i32
      %mul3A_63 = arith.muli %scan3A_61, %mul3A_62 : i32
      %add3A_64 = arith.addi %mul3A_2, %mul3A_63 : i32
      %multiple_of3A = tpu.assume_multiple %add3A_64, 8 : i32
      "tpu.region"() ({
        %run_scoped3A_183 = tpu.sem_alloc : memref<!tpu.dma_semaphore, #tpu.memory_space<semaphore_mem>>
        %dma_start3A_184 = arith.constant 0 : i32
        %dma_start3A_185 = tpu.memref_slice %arg3[%multiple_of3A, %dma_start3A_184] : memref<2560x128xi32, #tpu.memory_space<hbm>> -> memref<8x128xi32, #tpu.memory_space<hbm>>
        %dma_start3A_186 = arith.constant 0 : i32
        %dma_start3A_187 = tpu.memref_slice %arg3[%multiple_of3A, %dma_start3A_186] : memref<2560x128xi32, #tpu.memory_space<hbm>> -> memref<8x128xi32, #tpu.memory_space<hbm>>
        tpu.enqueue_dma source(%dma_start3A_187 : memref<8x128xi32, #tpu.memory_space<hbm>>) target(%arg10 : memref<8x128xi32, #tpu.memory_space<vmem>>) target_semaphore(%run_scoped3A_183 : memref<!tpu.dma_semaphore, #tpu.memory_space<semaphore_mem>>)
        %dma_wait3A_188 = arith.constant 0 : i32
        %dma_wait3A_189 = tpu.memref_slice %arg3[%multiple_of3A, %dma_wait3A_188] : memref<2560x128xi32, #tpu.memory_space<hbm>> -> memref<8x128xi32, #tpu.memory_space<hbm>>
        %dma_wait3A_190 = arith.constant 0 : i32
        %dma_wait3A_191 = tpu.memref_slice %arg3[%multiple_of3A, %dma_wait3A_190] : memref<2560x128xi32, #tpu.memory_space<hbm>> -> memref<8x128xi32, #tpu.memory_space<hbm>>
        tpu.wait_dma2 semaphore(%run_scoped3A_183 : memref<!tpu.dma_semaphore, #tpu.memory_space<semaphore_mem>>) src(%dma_wait3A_191 : memref<8x128xi32, #tpu.memory_space<hbm>>) dst(%arg10 : memref<8x128xi32, #tpu.memory_space<vmem>>)
        tpu.yield
      }) : () -> ()
      "tpu.region"() ({
        %run_scoped3A_183 = tpu.sem_alloc : memref<!tpu.dma_semaphore, #tpu.memory_space<semaphore_mem>>
        %dma_start3A_184 = arith.constant 0 : i32
        %dma_start3A_185 = tpu.memref_slice %arg4[%multiple_of3A, %dma_start3A_184] : memref<2560x128xi32, #tpu.memory_space<hbm>> -> memref<8x128xi32, #tpu.memory_space<hbm>>
        %dma_start3A_186 = arith.constant 0 : i32
        %dma_start3A_187 = tpu.memref_slice %arg4[%multiple_of3A, %dma_start3A_186] : memref<2560x128xi32, #tpu.memory_space<hbm>> -> memref<8x128xi32, #tpu.memory_space<hbm>>
        tpu.enqueue_dma source(%dma_start3A_187 : memref<8x128xi32, #tpu.memory_space<hbm>>) target(%arg11 : memref<8x128xi32, #tpu.memory_space<vmem>>) target_semaphore(%run_scoped3A_183 : memref<!tpu.dma_semaphore, #tpu.memory_space<semaphore_mem>>)
        %dma_wait3A_188 = arith.constant 0 : i32
        %dma_wait3A_189 = tpu.memref_slice %arg4[%multiple_of3A, %dma_wait3A_188] : memref<2560x128xi32, #tpu.memory_space<hbm>> -> memref<8x128xi32, #tpu.memory_space<hbm>>
        %dma_wait3A_190 = arith.constant 0 : i32
        %dma_wait3A_191 = tpu.memref_slice %arg4[%multiple_of3A, %dma_wait3A_190] : memref<2560x128xi32, #tpu.memory_space<hbm>> -> memref<8x128xi32, #tpu.memory_space<hbm>>
        tpu.wait_dma2 semaphore(%run_scoped3A_183 : memref<!tpu.dma_semaphore, #tpu.memory_space<semaphore_mem>>) src(%dma_wait3A_191 : memref<8x128xi32, #tpu.memory_space<hbm>>) dst(%arg11 : memref<8x128xi32, #tpu.memory_space<vmem>>)
        tpu.yield
      }) : () -> ()
      %dma_start3A = arith.constant 0 : i32
      %dma_start3A_65 = arith.constant 0 : i32
      %dma_start3A_66 = tpu.memref_slice %arg10[%dma_start3A, %dma_start3A_65] : memref<8x128xi32, #tpu.memory_space<vmem>> -> memref<1x128xi32, #tpu.memory_space<vmem>>
      %dma_start3A_67 = tpu.memref_squeeze %dma_start3A_66 : memref<1x128xi32, #tpu.memory_space<vmem>> -> memref<128xi32, #tpu.memory_space<vmem>>
      %dma_start3A_68 = arith.constant 0 : i32
      %dma_start3A_69 = arith.constant 0 : i32
      %dma_start3A_70 = tpu.memref_slice %arg2[%dma_start3A_68, %dma_start3A_69] : memref<10000x128xf32, #tpu.memory_space<hbm>> -> memref<10000x128xf32, #tpu.memory_space<hbm>>
      tpu.enqueue_indirect_dma source(%dma_start3A_70 : memref<10000x128xf32, #tpu.memory_space<hbm>>) target(%arg13 : memref<128x128xf32, #tpu.memory_space<vmem>>) offsets(%dma_start3A_67 : memref<128xi32, #tpu.memory_space<vmem>>) semaphore(%arg16 : memref<!tpu.dma_semaphore, #tpu.memory_space<semaphore_mem>>)
      %dma_wait3A = arith.constant 0 : i32
      %dma_wait3A_71 = arith.constant 0 : i32
      %dma_wait3A_72 = tpu.memref_slice %arg10[%dma_wait3A, %dma_wait3A_71] : memref<8x128xi32, #tpu.memory_space<vmem>> -> memref<1x128xi32, #tpu.memory_space<vmem>>
      %dma_wait3A_73 = tpu.memref_squeeze %dma_wait3A_72 : memref<1x128xi32, #tpu.memory_space<vmem>> -> memref<128xi32, #tpu.memory_space<vmem>>
      %dma_wait3A_74 = arith.constant 0 : i32
      %dma_wait3A_75 = arith.constant 0 : i32
      %dma_wait3A_76 = tpu.memref_slice %arg2[%dma_wait3A_74, %dma_wait3A_75] : memref<10000x128xf32, #tpu.memory_space<hbm>> -> memref<10000x128xf32, #tpu.memory_space<hbm>>
      tpu.wait_indirect_dma semaphore(%arg16 : memref<!tpu.dma_semaphore, #tpu.memory_space<semaphore_mem>>) src(%dma_wait3A_76 : memref<10000x128xf32, #tpu.memory_space<hbm>>) dst(%arg13 : memref<128x128xf32, #tpu.memory_space<vmem>>)
      %dma_start3A_77 = arith.constant 1 : i32
      %dma_start3A_78 = arith.constant 0 : i32
      %dma_start3A_79 = tpu.memref_slice %arg10[%dma_start3A_77, %dma_start3A_78] : memref<8x128xi32, #tpu.memory_space<vmem>> -> memref<1x128xi32, #tpu.memory_space<vmem>>
      %dma_start3A_80 = tpu.memref_squeeze %dma_start3A_79 : memref<1x128xi32, #tpu.memory_space<vmem>> -> memref<128xi32, #tpu.memory_space<vmem>>
      %dma_start3A_81 = arith.constant 0 : i32
      %dma_start3A_82 = arith.constant 0 : i32
      %dma_start3A_83 = tpu.memref_slice %arg2[%dma_start3A_81, %dma_start3A_82] : memref<10000x128xf32, #tpu.memory_space<hbm>> -> memref<10000x128xf32, #tpu.memory_space<hbm>>
      tpu.enqueue_indirect_dma source(%dma_start3A_83 : memref<10000x128xf32, #tpu.memory_space<hbm>>) target(%arg14 : memref<128x128xf32, #tpu.memory_space<vmem>>) offsets(%dma_start3A_80 : memref<128xi32, #tpu.memory_space<vmem>>) semaphore(%arg17 : memref<!tpu.dma_semaphore, #tpu.memory_space<semaphore_mem>>)
      %run_scoped3A_84 = arith.constant 0 : i32
      "tpu.region"() ({
        %run_scoped3A_183 = tpu.sem_alloc : memref<!tpu.dma_semaphore, #tpu.memory_space<semaphore_mem>>
        %dma_start3A_184 = arith.constant 0 : i32
        %dma_start3A_185 = tpu.memref_slice %arg11[%run_scoped3A_84, %dma_start3A_184] : memref<8x128xi32, #tpu.memory_space<vmem>> -> memref<1x128xi32, #tpu.memory_space<vmem>>
        %dma_start3A_186 = tpu.memref_squeeze %dma_start3A_185 : memref<1x128xi32, #tpu.memory_space<vmem>> -> memref<128xi32, #tpu.memory_space<vmem>>
        %dma_start3A_187 = arith.constant 0 : i32
        %dma_start3A_188 = arith.constant 0 : i32
        %dma_start3A_189 = tpu.memref_slice %arg15[%dma_start3A_187, %dma_start3A_188] : memref<10240x128xf32, #tpu.memory_space<vmem_shared>> -> memref<10240x128xf32, #tpu.memory_space<vmem_shared>>
        tpu.enqueue_indirect_dma source(%arg13 : memref<128x128xf32, #tpu.memory_space<vmem>>) target(%dma_start3A_189 : memref<10240x128xf32, #tpu.memory_space<vmem_shared>>) offsets(%dma_start3A_186 : memref<128xi32, #tpu.memory_space<vmem>>) semaphore(%run_scoped3A_183 : memref<!tpu.dma_semaphore, #tpu.memory_space<semaphore_mem>>) {add = true}
        %dma_wait3A_190 = arith.constant 0 : i32
        %dma_wait3A_191 = tpu.memref_slice %arg11[%run_scoped3A_84, %dma_wait3A_190] : memref<8x128xi32, #tpu.memory_space<vmem>> -> memref<1x128xi32, #tpu.memory_space<vmem>>
        %dma_wait3A_192 = tpu.memref_squeeze %dma_wait3A_191 : memref<1x128xi32, #tpu.memory_space<vmem>> -> memref<128xi32, #tpu.memory_space<vmem>>
        %dma_wait3A_193 = arith.constant 0 : i32
        %dma_wait3A_194 = arith.constant 0 : i32
        %dma_wait3A_195 = tpu.memref_slice %arg15[%dma_wait3A_193, %dma_wait3A_194] : memref<10240x128xf32, #tpu.memory_space<vmem_shared>> -> memref<10240x128xf32, #tpu.memory_space<vmem_shared>>
        tpu.wait_indirect_dma semaphore(%run_scoped3A_183 : memref<!tpu.dma_semaphore, #tpu.memory_space<semaphore_mem>>) src(%arg13 : memref<128x128xf32, #tpu.memory_space<vmem>>) dst(%dma_wait3A_195 : memref<10240x128xf32, #tpu.memory_space<vmem_shared>>)
        tpu.yield
      }) : () -> ()
      %dma_wait3A_85 = arith.constant 1 : i32
      %dma_wait3A_86 = arith.constant 0 : i32
      %dma_wait3A_87 = tpu.memref_slice %arg10[%dma_wait3A_85, %dma_wait3A_86] : memref<8x128xi32, #tpu.memory_space<vmem>> -> memref<1x128xi32, #tpu.memory_space<vmem>>
      %dma_wait3A_88 = tpu.memref_squeeze %dma_wait3A_87 : memref<1x128xi32, #tpu.memory_space<vmem>> -> memref<128xi32, #tpu.memory_space<vmem>>
      %dma_wait3A_89 = arith.constant 0 : i32
      %dma_wait3A_90 = arith.constant 0 : i32
      %dma_wait3A_91 = tpu.memref_slice %arg2[%dma_wait3A_89, %dma_wait3A_90] : memref<10000x128xf32, #tpu.memory_space<hbm>> -> memref<10000x128xf32, #tpu.memory_space<hbm>>
      tpu.wait_indirect_dma semaphore(%arg17 : memref<!tpu.dma_semaphore, #tpu.memory_space<semaphore_mem>>) src(%dma_wait3A_91 : memref<10000x128xf32, #tpu.memory_space<hbm>>) dst(%arg14 : memref<128x128xf32, #tpu.memory_space<vmem>>)
      %dma_start3A_92 = arith.constant 2 : i32
      %dma_start3A_93 = arith.constant 0 : i32
      %dma_start3A_94 = tpu.memref_slice %arg10[%dma_start3A_92, %dma_start3A_93] : memref<8x128xi32, #tpu.memory_space<vmem>> -> memref<1x128xi32, #tpu.memory_space<vmem>>
      %dma_start3A_95 = tpu.memref_squeeze %dma_start3A_94 : memref<1x128xi32, #tpu.memory_space<vmem>> -> memref<128xi32, #tpu.memory_space<vmem>>
      %dma_start3A_96 = arith.constant 0 : i32
      %dma_start3A_97 = arith.constant 0 : i32
      %dma_start3A_98 = tpu.memref_slice %arg2[%dma_start3A_96, %dma_start3A_97] : memref<10000x128xf32, #tpu.memory_space<hbm>> -> memref<10000x128xf32, #tpu.memory_space<hbm>>
      tpu.enqueue_indirect_dma source(%dma_start3A_98 : memref<10000x128xf32, #tpu.memory_space<hbm>>) target(%arg13 : memref<128x128xf32, #tpu.memory_space<vmem>>) offsets(%dma_start3A_95 : memref<128xi32, #tpu.memory_space<vmem>>) semaphore(%arg16 : memref<!tpu.dma_semaphore, #tpu.memory_space<semaphore_mem>>)
      %run_scoped3A_99 = arith.constant 1 : i32
      "tpu.region"() ({
        %run_scoped3A_183 = tpu.sem_alloc : memref<!tpu.dma_semaphore, #tpu.memory_space<semaphore_mem>>
        %dma_start3A_184 = arith.constant 0 : i32
        %dma_start3A_185 = tpu.memref_slice %arg11[%run_scoped3A_99, %dma_start3A_184] : memref<8x128xi32, #tpu.memory_space<vmem>> -> memref<1x128xi32, #tpu.memory_space<vmem>>
        %dma_start3A_186 = tpu.memref_squeeze %dma_start3A_185 : memref<1x128xi32, #tpu.memory_space<vmem>> -> memref<128xi32, #tpu.memory_space<vmem>>
        %dma_start3A_187 = arith.constant 0 : i32
        %dma_start3A_188 = arith.constant 0 : i32
        %dma_start3A_189 = tpu.memref_slice %arg15[%dma_start3A_187, %dma_start3A_188] : memref<10240x128xf32, #tpu.memory_space<vmem_shared>> -> memref<10240x128xf32, #tpu.memory_space<vmem_shared>>
        tpu.enqueue_indirect_dma source(%arg14 : memref<128x128xf32, #tpu.memory_space<vmem>>) target(%dma_start3A_189 : memref<10240x128xf32, #tpu.memory_space<vmem_shared>>) offsets(%dma_start3A_186 : memref<128xi32, #tpu.memory_space<vmem>>) semaphore(%run_scoped3A_183 : memref<!tpu.dma_semaphore, #tpu.memory_space<semaphore_mem>>) {add = true}
        %dma_wait3A_190 = arith.constant 0 : i32
        %dma_wait3A_191 = tpu.memref_slice %arg11[%run_scoped3A_99, %dma_wait3A_190] : memref<8x128xi32, #tpu.memory_space<vmem>> -> memref<1x128xi32, #tpu.memory_space<vmem>>
        %dma_wait3A_192 = tpu.memref_squeeze %dma_wait3A_191 : memref<1x128xi32, #tpu.memory_space<vmem>> -> memref<128xi32, #tpu.memory_space<vmem>>
        %dma_wait3A_193 = arith.constant 0 : i32
        %dma_wait3A_194 = arith.constant 0 : i32
        %dma_wait3A_195 = tpu.memref_slice %arg15[%dma_wait3A_193, %dma_wait3A_194] : memref<10240x128xf32, #tpu.memory_space<vmem_shared>> -> memref<10240x128xf32, #tpu.memory_space<vmem_shared>>
        tpu.wait_indirect_dma semaphore(%run_scoped3A_183 : memref<!tpu.dma_semaphore, #tpu.memory_space<semaphore_mem>>) src(%arg14 : memref<128x128xf32, #tpu.memory_space<vmem>>) dst(%dma_wait3A_195 : memref<10240x128xf32, #tpu.memory_space<vmem_shared>>)
        tpu.yield
      }) : () -> ()
      %dma_wait3A_100 = arith.constant 2 : i32
      %dma_wait3A_101 = arith.constant 0 : i32
      %dma_wait3A_102 = tpu.memref_slice %arg10[%dma_wait3A_100, %dma_wait3A_101] : memref<8x128xi32, #tpu.memory_space<vmem>> -> memref<1x128xi32, #tpu.memory_space<vmem>>
      %dma_wait3A_103 = tpu.memref_squeeze %dma_wait3A_102 : memref<1x128xi32, #tpu.memory_space<vmem>> -> memref<128xi32, #tpu.memory_space<vmem>>
      %dma_wait3A_104 = arith.constant 0 : i32
      %dma_wait3A_105 = arith.constant 0 : i32
      %dma_wait3A_106 = tpu.memref_slice %arg2[%dma_wait3A_104, %dma_wait3A_105] : memref<10000x128xf32, #tpu.memory_space<hbm>> -> memref<10000x128xf32, #tpu.memory_space<hbm>>
      tpu.wait_indirect_dma semaphore(%arg16 : memref<!tpu.dma_semaphore, #tpu.memory_space<semaphore_mem>>) src(%dma_wait3A_106 : memref<10000x128xf32, #tpu.memory_space<hbm>>) dst(%arg13 : memref<128x128xf32, #tpu.memory_space<vmem>>)
      %dma_start3A_107 = arith.constant 3 : i32
      %dma_start3A_108 = arith.constant 0 : i32
      %dma_start3A_109 = tpu.memref_slice %arg10[%dma_start3A_107, %dma_start3A_108] : memref<8x128xi32, #tpu.memory_space<vmem>> -> memref<1x128xi32, #tpu.memory_space<vmem>>
      %dma_start3A_110 = tpu.memref_squeeze %dma_start3A_109 : memref<1x128xi32, #tpu.memory_space<vmem>> -> memref<128xi32, #tpu.memory_space<vmem>>
      %dma_start3A_111 = arith.constant 0 : i32
      %dma_start3A_112 = arith.constant 0 : i32
      %dma_start3A_113 = tpu.memref_slice %arg2[%dma_start3A_111, %dma_start3A_112] : memref<10000x128xf32, #tpu.memory_space<hbm>> -> memref<10000x128xf32, #tpu.memory_space<hbm>>
      tpu.enqueue_indirect_dma source(%dma_start3A_113 : memref<10000x128xf32, #tpu.memory_space<hbm>>) target(%arg14 : memref<128x128xf32, #tpu.memory_space<vmem>>) offsets(%dma_start3A_110 : memref<128xi32, #tpu.memory_space<vmem>>) semaphore(%arg17 : memref<!tpu.dma_semaphore, #tpu.memory_space<semaphore_mem>>)
      %run_scoped3A_114 = arith.constant 2 : i32
      "tpu.region"() ({
        %run_scoped3A_183 = tpu.sem_alloc : memref<!tpu.dma_semaphore, #tpu.memory_space<semaphore_mem>>
        %dma_start3A_184 = arith.constant 0 : i32
        %dma_start3A_185 = tpu.memref_slice %arg11[%run_scoped3A_114, %dma_start3A_184] : memref<8x128xi32, #tpu.memory_space<vmem>> -> memref<1x128xi32, #tpu.memory_space<vmem>>
        %dma_start3A_186 = tpu.memref_squeeze %dma_start3A_185 : memref<1x128xi32, #tpu.memory_space<vmem>> -> memref<128xi32, #tpu.memory_space<vmem>>
        %dma_start3A_187 = arith.constant 0 : i32
        %dma_start3A_188 = arith.constant 0 : i32
        %dma_start3A_189 = tpu.memref_slice %arg15[%dma_start3A_187, %dma_start3A_188] : memref<10240x128xf32, #tpu.memory_space<vmem_shared>> -> memref<10240x128xf32, #tpu.memory_space<vmem_shared>>
        tpu.enqueue_indirect_dma source(%arg13 : memref<128x128xf32, #tpu.memory_space<vmem>>) target(%dma_start3A_189 : memref<10240x128xf32, #tpu.memory_space<vmem_shared>>) offsets(%dma_start3A_186 : memref<128xi32, #tpu.memory_space<vmem>>) semaphore(%run_scoped3A_183 : memref<!tpu.dma_semaphore, #tpu.memory_space<semaphore_mem>>) {add = true}
        %dma_wait3A_190 = arith.constant 0 : i32
        %dma_wait3A_191 = tpu.memref_slice %arg11[%run_scoped3A_114, %dma_wait3A_190] : memref<8x128xi32, #tpu.memory_space<vmem>> -> memref<1x128xi32, #tpu.memory_space<vmem>>
        %dma_wait3A_192 = tpu.memref_squeeze %dma_wait3A_191 : memref<1x128xi32, #tpu.memory_space<vmem>> -> memref<128xi32, #tpu.memory_space<vmem>>
        %dma_wait3A_193 = arith.constant 0 : i32
        %dma_wait3A_194 = arith.constant 0 : i32
        %dma_wait3A_195 = tpu.memref_slice %arg15[%dma_wait3A_193, %dma_wait3A_194] : memref<10240x128xf32, #tpu.memory_space<vmem_shared>> -> memref<10240x128xf32, #tpu.memory_space<vmem_shared>>
        tpu.wait_indirect_dma semaphore(%run_scoped3A_183 : memref<!tpu.dma_semaphore, #tpu.memory_space<semaphore_mem>>) src(%arg13 : memref<128x128xf32, #tpu.memory_space<vmem>>) dst(%dma_wait3A_195 : memref<10240x128xf32, #tpu.memory_space<vmem_shared>>)
        tpu.yield
      }) : () -> ()
      %dma_wait3A_115 = arith.constant 3 : i32
      %dma_wait3A_116 = arith.constant 0 : i32
      %dma_wait3A_117 = tpu.memref_slice %arg10[%dma_wait3A_115, %dma_wait3A_116] : memref<8x128xi32, #tpu.memory_space<vmem>> -> memref<1x128xi32, #tpu.memory_space<vmem>>
      %dma_wait3A_118 = tpu.memref_squeeze %dma_wait3A_117 : memref<1x128xi32, #tpu.memory_space<vmem>> -> memref<128xi32, #tpu.memory_space<vmem>>
      %dma_wait3A_119 = arith.constant 0 : i32
      %dma_wait3A_120 = arith.constant 0 : i32
      %dma_wait3A_121 = tpu.memref_slice %arg2[%dma_wait3A_119, %dma_wait3A_120] : memref<10000x128xf32, #tpu.memory_space<hbm>> -> memref<10000x128xf32, #tpu.memory_space<hbm>>
      tpu.wait_indirect_dma semaphore(%arg17 : memref<!tpu.dma_semaphore, #tpu.memory_space<semaphore_mem>>) src(%dma_wait3A_121 : memref<10000x128xf32, #tpu.memory_space<hbm>>) dst(%arg14 : memref<128x128xf32, #tpu.memory_space<vmem>>)
      %dma_start3A_122 = arith.constant 4 : i32
      %dma_start3A_123 = arith.constant 0 : i32
      %dma_start3A_124 = tpu.memref_slice %arg10[%dma_start3A_122, %dma_start3A_123] : memref<8x128xi32, #tpu.memory_space<vmem>> -> memref<1x128xi32, #tpu.memory_space<vmem>>
      %dma_start3A_125 = tpu.memref_squeeze %dma_start3A_124 : memref<1x128xi32, #tpu.memory_space<vmem>> -> memref<128xi32, #tpu.memory_space<vmem>>
      %dma_start3A_126 = arith.constant 0 : i32
      %dma_start3A_127 = arith.constant 0 : i32
      %dma_start3A_128 = tpu.memref_slice %arg2[%dma_start3A_126, %dma_start3A_127] : memref<10000x128xf32, #tpu.memory_space<hbm>> -> memref<10000x128xf32, #tpu.memory_space<hbm>>
      tpu.enqueue_indirect_dma source(%dma_start3A_128 : memref<10000x128xf32, #tpu.memory_space<hbm>>) target(%arg13 : memref<128x128xf32, #tpu.memory_space<vmem>>) offsets(%dma_start3A_125 : memref<128xi32, #tpu.memory_space<vmem>>) semaphore(%arg16 : memref<!tpu.dma_semaphore, #tpu.memory_space<semaphore_mem>>)
      %run_scoped3A_129 = arith.constant 3 : i32
      "tpu.region"() ({
        %run_scoped3A_183 = tpu.sem_alloc : memref<!tpu.dma_semaphore, #tpu.memory_space<semaphore_mem>>
        %dma_start3A_184 = arith.constant 0 : i32
        %dma_start3A_185 = tpu.memref_slice %arg11[%run_scoped3A_129, %dma_start3A_184] : memref<8x128xi32, #tpu.memory_space<vmem>> -> memref<1x128xi32, #tpu.memory_space<vmem>>
        %dma_start3A_186 = tpu.memref_squeeze %dma_start3A_185 : memref<1x128xi32, #tpu.memory_space<vmem>> -> memref<128xi32, #tpu.memory_space<vmem>>
        %dma_start3A_187 = arith.constant 0 : i32
        %dma_start3A_188 = arith.constant 0 : i32
        %dma_start3A_189 = tpu.memref_slice %arg15[%dma_start3A_187, %dma_start3A_188] : memref<10240x128xf32, #tpu.memory_space<vmem_shared>> -> memref<10240x128xf32, #tpu.memory_space<vmem_shared>>
        tpu.enqueue_indirect_dma source(%arg14 : memref<128x128xf32, #tpu.memory_space<vmem>>) target(%dma_start3A_189 : memref<10240x128xf32, #tpu.memory_space<vmem_shared>>) offsets(%dma_start3A_186 : memref<128xi32, #tpu.memory_space<vmem>>) semaphore(%run_scoped3A_183 : memref<!tpu.dma_semaphore, #tpu.memory_space<semaphore_mem>>) {add = true}
        %dma_wait3A_190 = arith.constant 0 : i32
        %dma_wait3A_191 = tpu.memref_slice %arg11[%run_scoped3A_129, %dma_wait3A_190] : memref<8x128xi32, #tpu.memory_space<vmem>> -> memref<1x128xi32, #tpu.memory_space<vmem>>
        %dma_wait3A_192 = tpu.memref_squeeze %dma_wait3A_191 : memref<1x128xi32, #tpu.memory_space<vmem>> -> memref<128xi32, #tpu.memory_space<vmem>>
        %dma_wait3A_193 = arith.constant 0 : i32
        %dma_wait3A_194 = arith.constant 0 : i32
        %dma_wait3A_195 = tpu.memref_slice %arg15[%dma_wait3A_193, %dma_wait3A_194] : memref<10240x128xf32, #tpu.memory_space<vmem_shared>> -> memref<10240x128xf32, #tpu.memory_space<vmem_shared>>
        tpu.wait_indirect_dma semaphore(%run_scoped3A_183 : memref<!tpu.dma_semaphore, #tpu.memory_space<semaphore_mem>>) src(%arg14 : memref<128x128xf32, #tpu.memory_space<vmem>>) dst(%dma_wait3A_195 : memref<10240x128xf32, #tpu.memory_space<vmem_shared>>)
        tpu.yield
      }) : () -> ()
      %dma_wait3A_130 = arith.constant 4 : i32
      %dma_wait3A_131 = arith.constant 0 : i32
      %dma_wait3A_132 = tpu.memref_slice %arg10[%dma_wait3A_130, %dma_wait3A_131] : memref<8x128xi32, #tpu.memory_space<vmem>> -> memref<1x128xi32, #tpu.memory_space<vmem>>
      %dma_wait3A_133 = tpu.memref_squeeze %dma_wait3A_132 : memref<1x128xi32, #tpu.memory_space<vmem>> -> memref<128xi32, #tpu.memory_space<vmem>>
      %dma_wait3A_134 = arith.constant 0 : i32
      %dma_wait3A_135 = arith.constant 0 : i32
      %dma_wait3A_136 = tpu.memref_slice %arg2[%dma_wait3A_134, %dma_wait3A_135] : memref<10000x128xf32, #tpu.memory_space<hbm>> -> memref<10000x128xf32, #tpu.memory_space<hbm>>
      tpu.wait_indirect_dma semaphore(%arg16 : memref<!tpu.dma_semaphore, #tpu.memory_space<semaphore_mem>>) src(%dma_wait3A_136 : memref<10000x128xf32, #tpu.memory_space<hbm>>) dst(%arg13 : memref<128x128xf32, #tpu.memory_space<vmem>>)
      %dma_start3A_137 = arith.constant 5 : i32
      %dma_start3A_138 = arith.constant 0 : i32
      %dma_start3A_139 = tpu.memref_slice %arg10[%dma_start3A_137, %dma_start3A_138] : memref<8x128xi32, #tpu.memory_space<vmem>> -> memref<1x128xi32, #tpu.memory_space<vmem>>
      %dma_start3A_140 = tpu.memref_squeeze %dma_start3A_139 : memref<1x128xi32, #tpu.memory_space<vmem>> -> memref<128xi32, #tpu.memory_space<vmem>>
      %dma_start3A_141 = arith.constant 0 : i32
      %dma_start3A_142 = arith.constant 0 : i32
      %dma_start3A_143 = tpu.memref_slice %arg2[%dma_start3A_141, %dma_start3A_142] : memref<10000x128xf32, #tpu.memory_space<hbm>> -> memref<10000x128xf32, #tpu.memory_space<hbm>>
      tpu.enqueue_indirect_dma source(%dma_start3A_143 : memref<10000x128xf32, #tpu.memory_space<hbm>>) target(%arg14 : memref<128x128xf32, #tpu.memory_space<vmem>>) offsets(%dma_start3A_140 : memref<128xi32, #tpu.memory_space<vmem>>) semaphore(%arg17 : memref<!tpu.dma_semaphore, #tpu.memory_space<semaphore_mem>>)
      %run_scoped3A_144 = arith.constant 4 : i32
      "tpu.region"() ({
        %run_scoped3A_183 = tpu.sem_alloc : memref<!tpu.dma_semaphore, #tpu.memory_space<semaphore_mem>>
        %dma_start3A_184 = arith.constant 0 : i32
        %dma_start3A_185 = tpu.memref_slice %arg11[%run_scoped3A_144, %dma_start3A_184] : memref<8x128xi32, #tpu.memory_space<vmem>> -> memref<1x128xi32, #tpu.memory_space<vmem>>
        %dma_start3A_186 = tpu.memref_squeeze %dma_start3A_185 : memref<1x128xi32, #tpu.memory_space<vmem>> -> memref<128xi32, #tpu.memory_space<vmem>>
        %dma_start3A_187 = arith.constant 0 : i32
        %dma_start3A_188 = arith.constant 0 : i32
        %dma_start3A_189 = tpu.memref_slice %arg15[%dma_start3A_187, %dma_start3A_188] : memref<10240x128xf32, #tpu.memory_space<vmem_shared>> -> memref<10240x128xf32, #tpu.memory_space<vmem_shared>>
        tpu.enqueue_indirect_dma source(%arg13 : memref<128x128xf32, #tpu.memory_space<vmem>>) target(%dma_start3A_189 : memref<10240x128xf32, #tpu.memory_space<vmem_shared>>) offsets(%dma_start3A_186 : memref<128xi32, #tpu.memory_space<vmem>>) semaphore(%run_scoped3A_183 : memref<!tpu.dma_semaphore, #tpu.memory_space<semaphore_mem>>) {add = true}
        %dma_wait3A_190 = arith.constant 0 : i32
        %dma_wait3A_191 = tpu.memref_slice %arg11[%run_scoped3A_144, %dma_wait3A_190] : memref<8x128xi32, #tpu.memory_space<vmem>> -> memref<1x128xi32, #tpu.memory_space<vmem>>
        %dma_wait3A_192 = tpu.memref_squeeze %dma_wait3A_191 : memref<1x128xi32, #tpu.memory_space<vmem>> -> memref<128xi32, #tpu.memory_space<vmem>>
        %dma_wait3A_193 = arith.constant 0 : i32
        %dma_wait3A_194 = arith.constant 0 : i32
        %dma_wait3A_195 = tpu.memref_slice %arg15[%dma_wait3A_193, %dma_wait3A_194] : memref<10240x128xf32, #tpu.memory_space<vmem_shared>> -> memref<10240x128xf32, #tpu.memory_space<vmem_shared>>
        tpu.wait_indirect_dma semaphore(%run_scoped3A_183 : memref<!tpu.dma_semaphore, #tpu.memory_space<semaphore_mem>>) src(%arg13 : memref<128x128xf32, #tpu.memory_space<vmem>>) dst(%dma_wait3A_195 : memref<10240x128xf32, #tpu.memory_space<vmem_shared>>)
        tpu.yield
      }) : () -> ()
      %dma_wait3A_145 = arith.constant 5 : i32
      %dma_wait3A_146 = arith.constant 0 : i32
      %dma_wait3A_147 = tpu.memref_slice %arg10[%dma_wait3A_145, %dma_wait3A_146] : memref<8x128xi32, #tpu.memory_space<vmem>> -> memref<1x128xi32, #tpu.memory_space<vmem>>
      %dma_wait3A_148 = tpu.memref_squeeze %dma_wait3A_147 : memref<1x128xi32, #tpu.memory_space<vmem>> -> memref<128xi32, #tpu.memory_space<vmem>>
      %dma_wait3A_149 = arith.constant 0 : i32
      %dma_wait3A_150 = arith.constant 0 : i32
      %dma_wait3A_151 = tpu.memref_slice %arg2[%dma_wait3A_149, %dma_wait3A_150] : memref<10000x128xf32, #tpu.memory_space<hbm>> -> memref<10000x128xf32, #tpu.memory_space<hbm>>
      tpu.wait_indirect_dma semaphore(%arg17 : memref<!tpu.dma_semaphore, #tpu.memory_space<semaphore_mem>>) src(%dma_wait3A_151 : memref<10000x128xf32, #tpu.memory_space<hbm>>) dst(%arg14 : memref<128x128xf32, #tpu.memory_space<vmem>>)
      %dma_start3A_152 = arith.constant 6 : i32
      %dma_start3A_153 = arith.constant 0 : i32
      %dma_start3A_154 = tpu.memref_slice %arg10[%dma_start3A_152, %dma_start3A_153] : memref<8x128xi32, #tpu.memory_space<vmem>> -> memref<1x128xi32, #tpu.memory_space<vmem>>
      %dma_start3A_155 = tpu.memref_squeeze %dma_start3A_154 : memref<1x128xi32, #tpu.memory_space<vmem>> -> memref<128xi32, #tpu.memory_space<vmem>>
      %dma_start3A_156 = arith.constant 0 : i32
      %dma_start3A_157 = arith.constant 0 : i32
      %dma_start3A_158 = tpu.memref_slice %arg2[%dma_start3A_156, %dma_start3A_157] : memref<10000x128xf32, #tpu.memory_space<hbm>> -> memref<10000x128xf32, #tpu.memory_space<hbm>>
      tpu.enqueue_indirect_dma source(%dma_start3A_158 : memref<10000x128xf32, #tpu.memory_space<hbm>>) target(%arg13 : memref<128x128xf32, #tpu.memory_space<vmem>>) offsets(%dma_start3A_155 : memref<128xi32, #tpu.memory_space<vmem>>) semaphore(%arg16 : memref<!tpu.dma_semaphore, #tpu.memory_space<semaphore_mem>>)
      %run_scoped3A_159 = arith.constant 5 : i32
      "tpu.region"() ({
        %run_scoped3A_183 = tpu.sem_alloc : memref<!tpu.dma_semaphore, #tpu.memory_space<semaphore_mem>>
        %dma_start3A_184 = arith.constant 0 : i32
        %dma_start3A_185 = tpu.memref_slice %arg11[%run_scoped3A_159, %dma_start3A_184] : memref<8x128xi32, #tpu.memory_space<vmem>> -> memref<1x128xi32, #tpu.memory_space<vmem>>
        %dma_start3A_186 = tpu.memref_squeeze %dma_start3A_185 : memref<1x128xi32, #tpu.memory_space<vmem>> -> memref<128xi32, #tpu.memory_space<vmem>>
        %dma_start3A_187 = arith.constant 0 : i32
        %dma_start3A_188 = arith.constant 0 : i32
        %dma_start3A_189 = tpu.memref_slice %arg15[%dma_start3A_187, %dma_start3A_188] : memref<10240x128xf32, #tpu.memory_space<vmem_shared>> -> memref<10240x128xf32, #tpu.memory_space<vmem_shared>>
        tpu.enqueue_indirect_dma source(%arg14 : memref<128x128xf32, #tpu.memory_space<vmem>>) target(%dma_start3A_189 : memref<10240x128xf32, #tpu.memory_space<vmem_shared>>) offsets(%dma_start3A_186 : memref<128xi32, #tpu.memory_space<vmem>>) semaphore(%run_scoped3A_183 : memref<!tpu.dma_semaphore, #tpu.memory_space<semaphore_mem>>) {add = true}
        %dma_wait3A_190 = arith.constant 0 : i32
        %dma_wait3A_191 = tpu.memref_slice %arg11[%run_scoped3A_159, %dma_wait3A_190] : memref<8x128xi32, #tpu.memory_space<vmem>> -> memref<1x128xi32, #tpu.memory_space<vmem>>
        %dma_wait3A_192 = tpu.memref_squeeze %dma_wait3A_191 : memref<1x128xi32, #tpu.memory_space<vmem>> -> memref<128xi32, #tpu.memory_space<vmem>>
        %dma_wait3A_193 = arith.constant 0 : i32
        %dma_wait3A_194 = arith.constant 0 : i32
        %dma_wait3A_195 = tpu.memref_slice %arg15[%dma_wait3A_193, %dma_wait3A_194] : memref<10240x128xf32, #tpu.memory_space<vmem_shared>> -> memref<10240x128xf32, #tpu.memory_space<vmem_shared>>
        tpu.wait_indirect_dma semaphore(%run_scoped3A_183 : memref<!tpu.dma_semaphore, #tpu.memory_space<semaphore_mem>>) src(%arg14 : memref<128x128xf32, #tpu.memory_space<vmem>>) dst(%dma_wait3A_195 : memref<10240x128xf32, #tpu.memory_space<vmem_shared>>)
        tpu.yield
      }) : () -> ()
      %dma_wait3A_160 = arith.constant 6 : i32
      %dma_wait3A_161 = arith.constant 0 : i32
      %dma_wait3A_162 = tpu.memref_slice %arg10[%dma_wait3A_160, %dma_wait3A_161] : memref<8x128xi32, #tpu.memory_space<vmem>> -> memref<1x128xi32, #tpu.memory_space<vmem>>
      %dma_wait3A_163 = tpu.memref_squeeze %dma_wait3A_162 : memref<1x128xi32, #tpu.memory_space<vmem>> -> memref<128xi32, #tpu.memory_space<vmem>>
      %dma_wait3A_164 = arith.constant 0 : i32
      %dma_wait3A_165 = arith.constant 0 : i32
      %dma_wait3A_166 = tpu.memref_slice %arg2[%dma_wait3A_164, %dma_wait3A_165] : memref<10000x128xf32, #tpu.memory_space<hbm>> -> memref<10000x128xf32, #tpu.memory_space<hbm>>
      tpu.wait_indirect_dma semaphore(%arg16 : memref<!tpu.dma_semaphore, #tpu.memory_space<semaphore_mem>>) src(%dma_wait3A_166 : memref<10000x128xf32, #tpu.memory_space<hbm>>) dst(%arg13 : memref<128x128xf32, #tpu.memory_space<vmem>>)
      %dma_start3A_167 = arith.constant 7 : i32
      %dma_start3A_168 = arith.constant 0 : i32
      %dma_start3A_169 = tpu.memref_slice %arg10[%dma_start3A_167, %dma_start3A_168] : memref<8x128xi32, #tpu.memory_space<vmem>> -> memref<1x128xi32, #tpu.memory_space<vmem>>
      %dma_start3A_170 = tpu.memref_squeeze %dma_start3A_169 : memref<1x128xi32, #tpu.memory_space<vmem>> -> memref<128xi32, #tpu.memory_space<vmem>>
      %dma_start3A_171 = arith.constant 0 : i32
      %dma_start3A_172 = arith.constant 0 : i32
      %dma_start3A_173 = tpu.memref_slice %arg2[%dma_start3A_171, %dma_start3A_172] : memref<10000x128xf32, #tpu.memory_space<hbm>> -> memref<10000x128xf32, #tpu.memory_space<hbm>>
      tpu.enqueue_indirect_dma source(%dma_start3A_173 : memref<10000x128xf32, #tpu.memory_space<hbm>>) target(%arg14 : memref<128x128xf32, #tpu.memory_space<vmem>>) offsets(%dma_start3A_170 : memref<128xi32, #tpu.memory_space<vmem>>) semaphore(%arg17 : memref<!tpu.dma_semaphore, #tpu.memory_space<semaphore_mem>>)
      %run_scoped3A_174 = arith.constant 6 : i32
      "tpu.region"() ({
        %run_scoped3A_183 = tpu.sem_alloc : memref<!tpu.dma_semaphore, #tpu.memory_space<semaphore_mem>>
        %dma_start3A_184 = arith.constant 0 : i32
        %dma_start3A_185 = tpu.memref_slice %arg11[%run_scoped3A_174, %dma_start3A_184] : memref<8x128xi32, #tpu.memory_space<vmem>> -> memref<1x128xi32, #tpu.memory_space<vmem>>
        %dma_start3A_186 = tpu.memref_squeeze %dma_start3A_185 : memref<1x128xi32, #tpu.memory_space<vmem>> -> memref<128xi32, #tpu.memory_space<vmem>>
        %dma_start3A_187 = arith.constant 0 : i32
        %dma_start3A_188 = arith.constant 0 : i32
        %dma_start3A_189 = tpu.memref_slice %arg15[%dma_start3A_187, %dma_start3A_188] : memref<10240x128xf32, #tpu.memory_space<vmem_shared>> -> memref<10240x128xf32, #tpu.memory_space<vmem_shared>>
        tpu.enqueue_indirect_dma source(%arg13 : memref<128x128xf32, #tpu.memory_space<vmem>>) target(%dma_start3A_189 : memref<10240x128xf32, #tpu.memory_space<vmem_shared>>) offsets(%dma_start3A_186 : memref<128xi32, #tpu.memory_space<vmem>>) semaphore(%run_scoped3A_183 : memref<!tpu.dma_semaphore, #tpu.memory_space<semaphore_mem>>) {add = true}
        %dma_wait3A_190 = arith.constant 0 : i32
        %dma_wait3A_191 = tpu.memref_slice %arg11[%run_scoped3A_174, %dma_wait3A_190] : memref<8x128xi32, #tpu.memory_space<vmem>> -> memref<1x128xi32, #tpu.memory_space<vmem>>
        %dma_wait3A_192 = tpu.memref_squeeze %dma_wait3A_191 : memref<1x128xi32, #tpu.memory_space<vmem>> -> memref<128xi32, #tpu.memory_space<vmem>>
        %dma_wait3A_193 = arith.constant 0 : i32
        %dma_wait3A_194 = arith.constant 0 : i32
        %dma_wait3A_195 = tpu.memref_slice %arg15[%dma_wait3A_193, %dma_wait3A_194] : memref<10240x128xf32, #tpu.memory_space<vmem_shared>> -> memref<10240x128xf32, #tpu.memory_space<vmem_shared>>
        tpu.wait_indirect_dma semaphore(%run_scoped3A_183 : memref<!tpu.dma_semaphore, #tpu.memory_space<semaphore_mem>>) src(%arg13 : memref<128x128xf32, #tpu.memory_space<vmem>>) dst(%dma_wait3A_195 : memref<10240x128xf32, #tpu.memory_space<vmem_shared>>)
        tpu.yield
      }) : () -> ()
      %dma_wait3A_175 = arith.constant 7 : i32
      %dma_wait3A_176 = arith.constant 0 : i32
      %dma_wait3A_177 = tpu.memref_slice %arg10[%dma_wait3A_175, %dma_wait3A_176] : memref<8x128xi32, #tpu.memory_space<vmem>> -> memref<1x128xi32, #tpu.memory_space<vmem>>
      %dma_wait3A_178 = tpu.memref_squeeze %dma_wait3A_177 : memref<1x128xi32, #tpu.memory_space<vmem>> -> memref<128xi32, #tpu.memory_space<vmem>>
      %dma_wait3A_179 = arith.constant 0 : i32
      %dma_wait3A_180 = arith.constant 0 : i32
      %dma_wait3A_181 = tpu.memref_slice %arg2[%dma_wait3A_179, %dma_wait3A_180] : memref<10000x128xf32, #tpu.memory_space<hbm>> -> memref<10000x128xf32, #tpu.memory_space<hbm>>
      tpu.wait_indirect_dma semaphore(%arg17 : memref<!tpu.dma_semaphore, #tpu.memory_space<semaphore_mem>>) src(%dma_wait3A_181 : memref<10000x128xf32, #tpu.memory_space<hbm>>) dst(%arg14 : memref<128x128xf32, #tpu.memory_space<vmem>>)
      %run_scoped3A_182 = arith.constant 7 : i32
      "tpu.region"() ({
        %run_scoped3A_183 = tpu.sem_alloc : memref<!tpu.dma_semaphore, #tpu.memory_space<semaphore_mem>>
        %dma_start3A_184 = arith.constant 0 : i32
        %dma_start3A_185 = tpu.memref_slice %arg11[%run_scoped3A_182, %dma_start3A_184] : memref<8x128xi32, #tpu.memory_space<vmem>> -> memref<1x128xi32, #tpu.memory_space<vmem>>
        %dma_start3A_186 = tpu.memref_squeeze %dma_start3A_185 : memref<1x128xi32, #tpu.memory_space<vmem>> -> memref<128xi32, #tpu.memory_space<vmem>>
        %dma_start3A_187 = arith.constant 0 : i32
        %dma_start3A_188 = arith.constant 0 : i32
        %dma_start3A_189 = tpu.memref_slice %arg15[%dma_start3A_187, %dma_start3A_188] : memref<10240x128xf32, #tpu.memory_space<vmem_shared>> -> memref<10240x128xf32, #tpu.memory_space<vmem_shared>>
        tpu.enqueue_indirect_dma source(%arg14 : memref<128x128xf32, #tpu.memory_space<vmem>>) target(%dma_start3A_189 : memref<10240x128xf32, #tpu.memory_space<vmem_shared>>) offsets(%dma_start3A_186 : memref<128xi32, #tpu.memory_space<vmem>>) semaphore(%run_scoped3A_183 : memref<!tpu.dma_semaphore, #tpu.memory_space<semaphore_mem>>) {add = true}
        %dma_wait3A_190 = arith.constant 0 : i32
        %dma_wait3A_191 = tpu.memref_slice %arg11[%run_scoped3A_182, %dma_wait3A_190] : memref<8x128xi32, #tpu.memory_space<vmem>> -> memref<1x128xi32, #tpu.memory_space<vmem>>
        %dma_wait3A_192 = tpu.memref_squeeze %dma_wait3A_191 : memref<1x128xi32, #tpu.memory_space<vmem>> -> memref<128xi32, #tpu.memory_space<vmem>>
        %dma_wait3A_193 = arith.constant 0 : i32
        %dma_wait3A_194 = arith.constant 0 : i32
        %dma_wait3A_195 = tpu.memref_slice %arg15[%dma_wait3A_193, %dma_wait3A_194] : memref<10240x128xf32, #tpu.memory_space<vmem_shared>> -> memref<10240x128xf32, #tpu.memory_space<vmem_shared>>
        tpu.wait_indirect_dma semaphore(%run_scoped3A_183 : memref<!tpu.dma_semaphore, #tpu.memory_space<semaphore_mem>>) src(%arg14 : memref<128x128xf32, #tpu.memory_space<vmem>>) dst(%dma_wait3A_195 : memref<10240x128xf32, #tpu.memory_space<vmem_shared>>)
        tpu.yield
      }) : () -> ()
    }
    %scan3A_16 = arith.constant 10 : i32
    %barrier3A_17 = arith.constant 0 : index
    tpu.barrier barrier_id(%barrier3A_17)
    %run_scoped3A_18 = arith.constant 0 : i32
    "tpu.region"() ({
      %run_scoped3A_61 = tpu.sem_alloc : memref<!tpu.dma_semaphore, #tpu.memory_space<semaphore_mem>>
      %dma_start3A = arith.constant 0 : i32
      %dma_start3A_62 = tpu.memref_slice %arg12[%run_scoped3A_18, %dma_start3A] : memref<8x128xi32, #tpu.memory_space<vmem>> -> memref<1x128xi32, #tpu.memory_space<vmem>>
      %dma_start3A_63 = tpu.memref_squeeze %dma_start3A_62 : memref<1x128xi32, #tpu.memory_space<vmem>> -> memref<128xi32, #tpu.memory_space<vmem>>
      %dma_start3A_64 = arith.constant 0 : i32
      %dma_start3A_65 = arith.constant 0 : i32
      %dma_start3A_66 = tpu.memref_slice %arg15[%dma_start3A_64, %dma_start3A_65] : memref<10240x128xf32, #tpu.memory_space<vmem_shared>> -> memref<10240x128xf32, #tpu.memory_space<vmem_shared>>
      tpu.enqueue_indirect_dma source(%dma_start3A_66 : memref<10240x128xf32, #tpu.memory_space<vmem_shared>>) target(%arg13 : memref<128x128xf32, #tpu.memory_space<vmem>>) offsets(%dma_start3A_63 : memref<128xi32, #tpu.memory_space<vmem>>) semaphore(%run_scoped3A_61 : memref<!tpu.dma_semaphore, #tpu.memory_space<semaphore_mem>>)
      %dma_wait3A = arith.constant 0 : i32
      %dma_wait3A_67 = tpu.memref_slice %arg12[%run_scoped3A_18, %dma_wait3A] : memref<8x128xi32, #tpu.memory_space<vmem>> -> memref<1x128xi32, #tpu.memory_space<vmem>>
      %dma_wait3A_68 = tpu.memref_squeeze %dma_wait3A_67 : memref<1x128xi32, #tpu.memory_space<vmem>> -> memref<128xi32, #tpu.memory_space<vmem>>
      %dma_wait3A_69 = arith.constant 0 : i32
      %dma_wait3A_70 = arith.constant 0 : i32
      %dma_wait3A_71 = tpu.memref_slice %arg15[%dma_wait3A_69, %dma_wait3A_70] : memref<10240x128xf32, #tpu.memory_space<vmem_shared>> -> memref<10240x128xf32, #tpu.memory_space<vmem_shared>>
      tpu.wait_indirect_dma semaphore(%run_scoped3A_61 : memref<!tpu.dma_semaphore, #tpu.memory_space<semaphore_mem>>) src(%dma_wait3A_71 : memref<10240x128xf32, #tpu.memory_space<vmem_shared>>) dst(%arg13 : memref<128x128xf32, #tpu.memory_space<vmem>>)
      tpu.yield
    }) : () -> ()
    %add3A_19 = arith.constant 0 : i32
    %add3A_20 = arith.addi %add3A_7, %add3A_19 : i32
    "tpu.region"() ({
      %run_scoped3A_61 = tpu.sem_alloc : memref<!tpu.dma_semaphore, #tpu.memory_space<semaphore_mem>>
      %dma_start3A = arith.constant 0 : i32
      %dma_start3A_62 = tpu.memref_slice %arg8[%add3A_20, %dma_start3A] : memref<20480x128xf32, #tpu.memory_space<hbm>> -> memref<128x128xf32, #tpu.memory_space<hbm>>
      %dma_start3A_63 = arith.constant 0 : i32
      %dma_start3A_64 = tpu.memref_slice %arg8[%add3A_20, %dma_start3A_63] : memref<20480x128xf32, #tpu.memory_space<hbm>> -> memref<128x128xf32, #tpu.memory_space<hbm>>
      tpu.enqueue_dma source(%arg13 : memref<128x128xf32, #tpu.memory_space<vmem>>) target(%dma_start3A_64 : memref<128x128xf32, #tpu.memory_space<hbm>>) target_semaphore(%run_scoped3A_61 : memref<!tpu.dma_semaphore, #tpu.memory_space<semaphore_mem>>)
      %dma_wait3A = arith.constant 0 : i32
      %dma_wait3A_65 = tpu.memref_slice %arg8[%add3A_20, %dma_wait3A] : memref<20480x128xf32, #tpu.memory_space<hbm>> -> memref<128x128xf32, #tpu.memory_space<hbm>>
      %dma_wait3A_66 = arith.constant 0 : i32
      %dma_wait3A_67 = tpu.memref_slice %arg8[%add3A_20, %dma_wait3A_66] : memref<20480x128xf32, #tpu.memory_space<hbm>> -> memref<128x128xf32, #tpu.memory_space<hbm>>
      tpu.wait_dma2 semaphore(%run_scoped3A_61 : memref<!tpu.dma_semaphore, #tpu.memory_space<semaphore_mem>>) src(%arg13 : memref<128x128xf32, #tpu.memory_space<vmem>>) dst(%dma_wait3A_67 : memref<128x128xf32, #tpu.memory_space<hbm>>)
      tpu.yield
    }) : () -> ()
    %run_scoped3A_21 = arith.constant 1 : i32
    "tpu.region"() ({
      %run_scoped3A_61 = tpu.sem_alloc : memref<!tpu.dma_semaphore, #tpu.memory_space<semaphore_mem>>
      %dma_start3A = arith.constant 0 : i32
      %dma_start3A_62 = tpu.memref_slice %arg12[%run_scoped3A_21, %dma_start3A] : memref<8x128xi32, #tpu.memory_space<vmem>> -> memref<1x128xi32, #tpu.memory_space<vmem>>
      %dma_start3A_63 = tpu.memref_squeeze %dma_start3A_62 : memref<1x128xi32, #tpu.memory_space<vmem>> -> memref<128xi32, #tpu.memory_space<vmem>>
      %dma_start3A_64 = arith.constant 0 : i32
      %dma_start3A_65 = arith.constant 0 : i32
      %dma_start3A_66 = tpu.memref_slice %arg15[%dma_start3A_64, %dma_start3A_65] : memref<10240x128xf32, #tpu.memory_space<vmem_shared>> -> memref<10240x128xf32, #tpu.memory_space<vmem_shared>>
      tpu.enqueue_indirect_dma source(%dma_start3A_66 : memref<10240x128xf32, #tpu.memory_space<vmem_shared>>) target(%arg13 : memref<128x128xf32, #tpu.memory_space<vmem>>) offsets(%dma_start3A_63 : memref<128xi32, #tpu.memory_space<vmem>>) semaphore(%run_scoped3A_61 : memref<!tpu.dma_semaphore, #tpu.memory_space<semaphore_mem>>)
      %dma_wait3A = arith.constant 0 : i32
      %dma_wait3A_67 = tpu.memref_slice %arg12[%run_scoped3A_21, %dma_wait3A] : memref<8x128xi32, #tpu.memory_space<vmem>> -> memref<1x128xi32, #tpu.memory_space<vmem>>
      %dma_wait3A_68 = tpu.memref_squeeze %dma_wait3A_67 : memref<1x128xi32, #tpu.memory_space<vmem>> -> memref<128xi32, #tpu.memory_space<vmem>>
      %dma_wait3A_69 = arith.constant 0 : i32
      %dma_wait3A_70 = arith.constant 0 : i32
      %dma_wait3A_71 = tpu.memref_slice %arg15[%dma_wait3A_69, %dma_wait3A_70] : memref<10240x128xf32, #tpu.memory_space<vmem_shared>> -> memref<10240x128xf32, #tpu.memory_space<vmem_shared>>
      tpu.wait_indirect_dma semaphore(%run_scoped3A_61 : memref<!tpu.dma_semaphore, #tpu.memory_space<semaphore_mem>>) src(%dma_wait3A_71 : memref<10240x128xf32, #tpu.memory_space<vmem_shared>>) dst(%arg13 : memref<128x128xf32, #tpu.memory_space<vmem>>)
      tpu.yield
    }) : () -> ()
    %add3A_22 = arith.constant 128 : i32
    %add3A_23 = arith.addi %add3A_7, %add3A_22 : i32
    "tpu.region"() ({
      %run_scoped3A_61 = tpu.sem_alloc : memref<!tpu.dma_semaphore, #tpu.memory_space<semaphore_mem>>
      %dma_start3A = arith.constant 0 : i32
      %dma_start3A_62 = tpu.memref_slice %arg8[%add3A_23, %dma_start3A] : memref<20480x128xf32, #tpu.memory_space<hbm>> -> memref<128x128xf32, #tpu.memory_space<hbm>>
      %dma_start3A_63 = arith.constant 0 : i32
      %dma_start3A_64 = tpu.memref_slice %arg8[%add3A_23, %dma_start3A_63] : memref<20480x128xf32, #tpu.memory_space<hbm>> -> memref<128x128xf32, #tpu.memory_space<hbm>>
      tpu.enqueue_dma source(%arg13 : memref<128x128xf32, #tpu.memory_space<vmem>>) target(%dma_start3A_64 : memref<128x128xf32, #tpu.memory_space<hbm>>) target_semaphore(%run_scoped3A_61 : memref<!tpu.dma_semaphore, #tpu.memory_space<semaphore_mem>>)
      %dma_wait3A = arith.constant 0 : i32
      %dma_wait3A_65 = tpu.memref_slice %arg8[%add3A_23, %dma_wait3A] : memref<20480x128xf32, #tpu.memory_space<hbm>> -> memref<128x128xf32, #tpu.memory_space<hbm>>
      %dma_wait3A_66 = arith.constant 0 : i32
      %dma_wait3A_67 = tpu.memref_slice %arg8[%add3A_23, %dma_wait3A_66] : memref<20480x128xf32, #tpu.memory_space<hbm>> -> memref<128x128xf32, #tpu.memory_space<hbm>>
      tpu.wait_dma2 semaphore(%run_scoped3A_61 : memref<!tpu.dma_semaphore, #tpu.memory_space<semaphore_mem>>) src(%arg13 : memref<128x128xf32, #tpu.memory_space<vmem>>) dst(%dma_wait3A_67 : memref<128x128xf32, #tpu.memory_space<hbm>>)
      tpu.yield
    }) : () -> ()
    %run_scoped3A_24 = arith.constant 2 : i32
    "tpu.region"() ({
      %run_scoped3A_61 = tpu.sem_alloc : memref<!tpu.dma_semaphore, #tpu.memory_space<semaphore_mem>>
      %dma_start3A = arith.constant 0 : i32
      %dma_start3A_62 = tpu.memref_slice %arg12[%run_scoped3A_24, %dma_start3A] : memref<8x128xi32, #tpu.memory_space<vmem>> -> memref<1x128xi32, #tpu.memory_space<vmem>>
      %dma_start3A_63 = tpu.memref_squeeze %dma_start3A_62 : memref<1x128xi32, #tpu.memory_space<vmem>> -> memref<128xi32, #tpu.memory_space<vmem>>
      %dma_start3A_64 = arith.constant 0 : i32
      %dma_start3A_65 = arith.constant 0 : i32
      %dma_start3A_66 = tpu.memref_slice %arg15[%dma_start3A_64, %dma_start3A_65] : memref<10240x128xf32, #tpu.memory_space<vmem_shared>> -> memref<10240x128xf32, #tpu.memory_space<vmem_shared>>
      tpu.enqueue_indirect_dma source(%dma_start3A_66 : memref<10240x128xf32, #tpu.memory_space<vmem_shared>>) target(%arg13 : memref<128x128xf32, #tpu.memory_space<vmem>>) offsets(%dma_start3A_63 : memref<128xi32, #tpu.memory_space<vmem>>) semaphore(%run_scoped3A_61 : memref<!tpu.dma_semaphore, #tpu.memory_space<semaphore_mem>>)
      %dma_wait3A = arith.constant 0 : i32
      %dma_wait3A_67 = tpu.memref_slice %arg12[%run_scoped3A_24, %dma_wait3A] : memref<8x128xi32, #tpu.memory_space<vmem>> -> memref<1x128xi32, #tpu.memory_space<vmem>>
      %dma_wait3A_68 = tpu.memref_squeeze %dma_wait3A_67 : memref<1x128xi32, #tpu.memory_space<vmem>> -> memref<128xi32, #tpu.memory_space<vmem>>
      %dma_wait3A_69 = arith.constant 0 : i32
      %dma_wait3A_70 = arith.constant 0 : i32
      %dma_wait3A_71 = tpu.memref_slice %arg15[%dma_wait3A_69, %dma_wait3A_70] : memref<10240x128xf32, #tpu.memory_space<vmem_shared>> -> memref<10240x128xf32, #tpu.memory_space<vmem_shared>>
      tpu.wait_indirect_dma semaphore(%run_scoped3A_61 : memref<!tpu.dma_semaphore, #tpu.memory_space<semaphore_mem>>) src(%dma_wait3A_71 : memref<10240x128xf32, #tpu.memory_space<vmem_shared>>) dst(%arg13 : memref<128x128xf32, #tpu.memory_space<vmem>>)
      tpu.yield
    }) : () -> ()
    %add3A_25 = arith.constant 256 : i32
    %add3A_26 = arith.addi %add3A_7, %add3A_25 : i32
    "tpu.region"() ({
      %run_scoped3A_61 = tpu.sem_alloc : memref<!tpu.dma_semaphore, #tpu.memory_space<semaphore_mem>>
      %dma_start3A = arith.constant 0 : i32
      %dma_start3A_62 = tpu.memref_slice %arg8[%add3A_26, %dma_start3A] : memref<20480x128xf32, #tpu.memory_space<hbm>> -> memref<128x128xf32, #tpu.memory_space<hbm>>
      %dma_start3A_63 = arith.constant 0 : i32
      %dma_start3A_64 = tpu.memref_slice %arg8[%add3A_26, %dma_start3A_63] : memref<20480x128xf32, #tpu.memory_space<hbm>> -> memref<128x128xf32, #tpu.memory_space<hbm>>
      tpu.enqueue_dma source(%arg13 : memref<128x128xf32, #tpu.memory_space<vmem>>) target(%dma_start3A_64 : memref<128x128xf32, #tpu.memory_space<hbm>>) target_semaphore(%run_scoped3A_61 : memref<!tpu.dma_semaphore, #tpu.memory_space<semaphore_mem>>)
      %dma_wait3A = arith.constant 0 : i32
      %dma_wait3A_65 = tpu.memref_slice %arg8[%add3A_26, %dma_wait3A] : memref<20480x128xf32, #tpu.memory_space<hbm>> -> memref<128x128xf32, #tpu.memory_space<hbm>>
      %dma_wait3A_66 = arith.constant 0 : i32
      %dma_wait3A_67 = tpu.memref_slice %arg8[%add3A_26, %dma_wait3A_66] : memref<20480x128xf32, #tpu.memory_space<hbm>> -> memref<128x128xf32, #tpu.memory_space<hbm>>
      tpu.wait_dma2 semaphore(%run_scoped3A_61 : memref<!tpu.dma_semaphore, #tpu.memory_space<semaphore_mem>>) src(%arg13 : memref<128x128xf32, #tpu.memory_space<vmem>>) dst(%dma_wait3A_67 : memref<128x128xf32, #tpu.memory_space<hbm>>)
      tpu.yield
    }) : () -> ()
    %run_scoped3A_27 = arith.constant 3 : i32
    "tpu.region"() ({
      %run_scoped3A_61 = tpu.sem_alloc : memref<!tpu.dma_semaphore, #tpu.memory_space<semaphore_mem>>
      %dma_start3A = arith.constant 0 : i32
      %dma_start3A_62 = tpu.memref_slice %arg12[%run_scoped3A_27, %dma_start3A] : memref<8x128xi32, #tpu.memory_space<vmem>> -> memref<1x128xi32, #tpu.memory_space<vmem>>
      %dma_start3A_63 = tpu.memref_squeeze %dma_start3A_62 : memref<1x128xi32, #tpu.memory_space<vmem>> -> memref<128xi32, #tpu.memory_space<vmem>>
      %dma_start3A_64 = arith.constant 0 : i32
      %dma_start3A_65 = arith.constant 0 : i32
      %dma_start3A_66 = tpu.memref_slice %arg15[%dma_start3A_64, %dma_start3A_65] : memref<10240x128xf32, #tpu.memory_space<vmem_shared>> -> memref<10240x128xf32, #tpu.memory_space<vmem_shared>>
      tpu.enqueue_indirect_dma source(%dma_start3A_66 : memref<10240x128xf32, #tpu.memory_space<vmem_shared>>) target(%arg13 : memref<128x128xf32, #tpu.memory_space<vmem>>) offsets(%dma_start3A_63 : memref<128xi32, #tpu.memory_space<vmem>>) semaphore(%run_scoped3A_61 : memref<!tpu.dma_semaphore, #tpu.memory_space<semaphore_mem>>)
      %dma_wait3A = arith.constant 0 : i32
      %dma_wait3A_67 = tpu.memref_slice %arg12[%run_scoped3A_27, %dma_wait3A] : memref<8x128xi32, #tpu.memory_space<vmem>> -> memref<1x128xi32, #tpu.memory_space<vmem>>
      %dma_wait3A_68 = tpu.memref_squeeze %dma_wait3A_67 : memref<1x128xi32, #tpu.memory_space<vmem>> -> memref<128xi32, #tpu.memory_space<vmem>>
      %dma_wait3A_69 = arith.constant 0 : i32
      %dma_wait3A_70 = arith.constant 0 : i32
      %dma_wait3A_71 = tpu.memref_slice %arg15[%dma_wait3A_69, %dma_wait3A_70] : memref<10240x128xf32, #tpu.memory_space<vmem_shared>> -> memref<10240x128xf32, #tpu.memory_space<vmem_shared>>
      tpu.wait_indirect_dma semaphore(%run_scoped3A_61 : memref<!tpu.dma_semaphore, #tpu.memory_space<semaphore_mem>>) src(%dma_wait3A_71 : memref<10240x128xf32, #tpu.memory_space<vmem_shared>>) dst(%arg13 : memref<128x128xf32, #tpu.memory_space<vmem>>)
      tpu.yield
    }) : () -> ()
    %add3A_28 = arith.constant 384 : i32
    %add3A_29 = arith.addi %add3A_7, %add3A_28 : i32
    "tpu.region"() ({
      %run_scoped3A_61 = tpu.sem_alloc : memref<!tpu.dma_semaphore, #tpu.memory_space<semaphore_mem>>
      %dma_start3A = arith.constant 0 : i32
      %dma_start3A_62 = tpu.memref_slice %arg8[%add3A_29, %dma_start3A] : memref<20480x128xf32, #tpu.memory_space<hbm>> -> memref<128x128xf32, #tpu.memory_space<hbm>>
      %dma_start3A_63 = arith.constant 0 : i32
      %dma_start3A_64 = tpu.memref_slice %arg8[%add3A_29, %dma_start3A_63] : memref<20480x128xf32, #tpu.memory_space<hbm>> -> memref<128x128xf32, #tpu.memory_space<hbm>>
      tpu.enqueue_dma source(%arg13 : memref<128x128xf32, #tpu.memory_space<vmem>>) target(%dma_start3A_64 : memref<128x128xf32, #tpu.memory_space<hbm>>) target_semaphore(%run_scoped3A_61 : memref<!tpu.dma_semaphore, #tpu.memory_space<semaphore_mem>>)
      %dma_wait3A = arith.constant 0 : i32
      %dma_wait3A_65 = tpu.memref_slice %arg8[%add3A_29, %dma_wait3A] : memref<20480x128xf32, #tpu.memory_space<hbm>> -> memref<128x128xf32, #tpu.memory_space<hbm>>
      %dma_wait3A_66 = arith.constant 0 : i32
      %dma_wait3A_67 = tpu.memref_slice %arg8[%add3A_29, %dma_wait3A_66] : memref<20480x128xf32, #tpu.memory_space<hbm>> -> memref<128x128xf32, #tpu.memory_space<hbm>>
      tpu.wait_dma2 semaphore(%run_scoped3A_61 : memref<!tpu.dma_semaphore, #tpu.memory_space<semaphore_mem>>) src(%arg13 : memref<128x128xf32, #tpu.memory_space<vmem>>) dst(%dma_wait3A_67 : memref<128x128xf32, #tpu.memory_space<hbm>>)
      tpu.yield
    }) : () -> ()
    %run_scoped3A_30 = arith.constant 4 : i32
    "tpu.region"() ({
      %run_scoped3A_61 = tpu.sem_alloc : memref<!tpu.dma_semaphore, #tpu.memory_space<semaphore_mem>>
      %dma_start3A = arith.constant 0 : i32
      %dma_start3A_62 = tpu.memref_slice %arg12[%run_scoped3A_30, %dma_start3A] : memref<8x128xi32, #tpu.memory_space<vmem>> -> memref<1x128xi32, #tpu.memory_space<vmem>>
      %dma_start3A_63 = tpu.memref_squeeze %dma_start3A_62 : memref<1x128xi32, #tpu.memory_space<vmem>> -> memref<128xi32, #tpu.memory_space<vmem>>
      %dma_start3A_64 = arith.constant 0 : i32
      %dma_start3A_65 = arith.constant 0 : i32
      %dma_start3A_66 = tpu.memref_slice %arg15[%dma_start3A_64, %dma_start3A_65] : memref<10240x128xf32, #tpu.memory_space<vmem_shared>> -> memref<10240x128xf32, #tpu.memory_space<vmem_shared>>
      tpu.enqueue_indirect_dma source(%dma_start3A_66 : memref<10240x128xf32, #tpu.memory_space<vmem_shared>>) target(%arg13 : memref<128x128xf32, #tpu.memory_space<vmem>>) offsets(%dma_start3A_63 : memref<128xi32, #tpu.memory_space<vmem>>) semaphore(%run_scoped3A_61 : memref<!tpu.dma_semaphore, #tpu.memory_space<semaphore_mem>>)
      %dma_wait3A = arith.constant 0 : i32
      %dma_wait3A_67 = tpu.memref_slice %arg12[%run_scoped3A_30, %dma_wait3A] : memref<8x128xi32, #tpu.memory_space<vmem>> -> memref<1x128xi32, #tpu.memory_space<vmem>>
      %dma_wait3A_68 = tpu.memref_squeeze %dma_wait3A_67 : memref<1x128xi32, #tpu.memory_space<vmem>> -> memref<128xi32, #tpu.memory_space<vmem>>
      %dma_wait3A_69 = arith.constant 0 : i32
      %dma_wait3A_70 = arith.constant 0 : i32
      %dma_wait3A_71 = tpu.memref_slice %arg15[%dma_wait3A_69, %dma_wait3A_70] : memref<10240x128xf32, #tpu.memory_space<vmem_shared>> -> memref<10240x128xf32, #tpu.memory_space<vmem_shared>>
      tpu.wait_indirect_dma semaphore(%run_scoped3A_61 : memref<!tpu.dma_semaphore, #tpu.memory_space<semaphore_mem>>) src(%dma_wait3A_71 : memref<10240x128xf32, #tpu.memory_space<vmem_shared>>) dst(%arg13 : memref<128x128xf32, #tpu.memory_space<vmem>>)
      tpu.yield
    }) : () -> ()
    %add3A_31 = arith.constant 512 : i32
    %add3A_32 = arith.addi %add3A_7, %add3A_31 : i32
    "tpu.region"() ({
      %run_scoped3A_61 = tpu.sem_alloc : memref<!tpu.dma_semaphore, #tpu.memory_space<semaphore_mem>>
      %dma_start3A = arith.constant 0 : i32
      %dma_start3A_62 = tpu.memref_slice %arg8[%add3A_32, %dma_start3A] : memref<20480x128xf32, #tpu.memory_space<hbm>> -> memref<128x128xf32, #tpu.memory_space<hbm>>
      %dma_start3A_63 = arith.constant 0 : i32
      %dma_start3A_64 = tpu.memref_slice %arg8[%add3A_32, %dma_start3A_63] : memref<20480x128xf32, #tpu.memory_space<hbm>> -> memref<128x128xf32, #tpu.memory_space<hbm>>
      tpu.enqueue_dma source(%arg13 : memref<128x128xf32, #tpu.memory_space<vmem>>) target(%dma_start3A_64 : memref<128x128xf32, #tpu.memory_space<hbm>>) target_semaphore(%run_scoped3A_61 : memref<!tpu.dma_semaphore, #tpu.memory_space<semaphore_mem>>)
      %dma_wait3A = arith.constant 0 : i32
      %dma_wait3A_65 = tpu.memref_slice %arg8[%add3A_32, %dma_wait3A] : memref<20480x128xf32, #tpu.memory_space<hbm>> -> memref<128x128xf32, #tpu.memory_space<hbm>>
      %dma_wait3A_66 = arith.constant 0 : i32
      %dma_wait3A_67 = tpu.memref_slice %arg8[%add3A_32, %dma_wait3A_66] : memref<20480x128xf32, #tpu.memory_space<hbm>> -> memref<128x128xf32, #tpu.memory_space<hbm>>
      tpu.wait_dma2 semaphore(%run_scoped3A_61 : memref<!tpu.dma_semaphore, #tpu.memory_space<semaphore_mem>>) src(%arg13 : memref<128x128xf32, #tpu.memory_space<vmem>>) dst(%dma_wait3A_67 : memref<128x128xf32, #tpu.memory_space<hbm>>)
      tpu.yield
    }) : () -> ()
    "tpu.region"() ({
      %run_scoped3A_61 = tpu.sem_alloc : memref<!tpu.dma_semaphore, #tpu.memory_space<semaphore_mem>>
      tpu.enqueue_dma source(%arg6 : memref<128x128xf32, #tpu.memory_space<hbm>>) target(%arg13 : memref<128x128xf32, #tpu.memory_space<vmem>>) target_semaphore(%run_scoped3A_61 : memref<!tpu.dma_semaphore, #tpu.memory_space<semaphore_mem>>)
      tpu.wait_dma2 semaphore(%run_scoped3A_61 : memref<!tpu.dma_semaphore, #tpu.memory_space<semaphore_mem>>) src(%arg6 : memref<128x128xf32, #tpu.memory_space<hbm>>) dst(%arg13 : memref<128x128xf32, #tpu.memory_space<vmem>>)
      tpu.yield
    }) : () -> ()
    %run_scoped3A_33 = arith.constant 0 : i32
    "tpu.region"() ({
      %run_scoped3A_61 = tpu.sem_alloc : memref<!tpu.dma_semaphore, #tpu.memory_space<semaphore_mem>>
      %dma_start3A = arith.constant 0 : i32
      %dma_start3A_62 = tpu.memref_slice %arg12[%run_scoped3A_33, %dma_start3A] : memref<8x128xi32, #tpu.memory_space<vmem>> -> memref<1x128xi32, #tpu.memory_space<vmem>>
      %dma_start3A_63 = tpu.memref_squeeze %dma_start3A_62 : memref<1x128xi32, #tpu.memory_space<vmem>> -> memref<128xi32, #tpu.memory_space<vmem>>
      %dma_start3A_64 = arith.constant 0 : i32
      %dma_start3A_65 = arith.constant 0 : i32
      %dma_start3A_66 = tpu.memref_slice %arg15[%dma_start3A_64, %dma_start3A_65] : memref<10240x128xf32, #tpu.memory_space<vmem_shared>> -> memref<10240x128xf32, #tpu.memory_space<vmem_shared>>
      tpu.enqueue_indirect_dma source(%arg13 : memref<128x128xf32, #tpu.memory_space<vmem>>) target(%dma_start3A_66 : memref<10240x128xf32, #tpu.memory_space<vmem_shared>>) offsets(%dma_start3A_63 : memref<128xi32, #tpu.memory_space<vmem>>) semaphore(%run_scoped3A_61 : memref<!tpu.dma_semaphore, #tpu.memory_space<semaphore_mem>>)
      %dma_wait3A = arith.constant 0 : i32
      %dma_wait3A_67 = tpu.memref_slice %arg12[%run_scoped3A_33, %dma_wait3A] : memref<8x128xi32, #tpu.memory_space<vmem>> -> memref<1x128xi32, #tpu.memory_space<vmem>>
      %dma_wait3A_68 = tpu.memref_squeeze %dma_wait3A_67 : memref<1x128xi32, #tpu.memory_space<vmem>> -> memref<128xi32, #tpu.memory_space<vmem>>
      %dma_wait3A_69 = arith.constant 0 : i32
      %dma_wait3A_70 = arith.constant 0 : i32
      %dma_wait3A_71 = tpu.memref_slice %arg15[%dma_wait3A_69, %dma_wait3A_70] : memref<10240x128xf32, #tpu.memory_space<vmem_shared>> -> memref<10240x128xf32, #tpu.memory_space<vmem_shared>>
      tpu.wait_indirect_dma semaphore(%run_scoped3A_61 : memref<!tpu.dma_semaphore, #tpu.memory_space<semaphore_mem>>) src(%arg13 : memref<128x128xf32, #tpu.memory_space<vmem>>) dst(%dma_wait3A_71 : memref<10240x128xf32, #tpu.memory_space<vmem_shared>>)
      tpu.yield
    }) : () -> ()
    %run_scoped3A_34 = arith.constant 1 : i32
    "tpu.region"() ({
      %run_scoped3A_61 = tpu.sem_alloc : memref<!tpu.dma_semaphore, #tpu.memory_space<semaphore_mem>>
      %dma_start3A = arith.constant 0 : i32
      %dma_start3A_62 = tpu.memref_slice %arg12[%run_scoped3A_34, %dma_start3A] : memref<8x128xi32, #tpu.memory_space<vmem>> -> memref<1x128xi32, #tpu.memory_space<vmem>>
      %dma_start3A_63 = tpu.memref_squeeze %dma_start3A_62 : memref<1x128xi32, #tpu.memory_space<vmem>> -> memref<128xi32, #tpu.memory_space<vmem>>
      %dma_start3A_64 = arith.constant 0 : i32
      %dma_start3A_65 = arith.constant 0 : i32
      %dma_start3A_66 = tpu.memref_slice %arg15[%dma_start3A_64, %dma_start3A_65] : memref<10240x128xf32, #tpu.memory_space<vmem_shared>> -> memref<10240x128xf32, #tpu.memory_space<vmem_shared>>
      tpu.enqueue_indirect_dma source(%arg13 : memref<128x128xf32, #tpu.memory_space<vmem>>) target(%dma_start3A_66 : memref<10240x128xf32, #tpu.memory_space<vmem_shared>>) offsets(%dma_start3A_63 : memref<128xi32, #tpu.memory_space<vmem>>) semaphore(%run_scoped3A_61 : memref<!tpu.dma_semaphore, #tpu.memory_space<semaphore_mem>>)
      %dma_wait3A = arith.constant 0 : i32
      %dma_wait3A_67 = tpu.memref_slice %arg12[%run_scoped3A_34, %dma_wait3A] : memref<8x128xi32, #tpu.memory_space<vmem>> -> memref<1x128xi32, #tpu.memory_space<vmem>>
      %dma_wait3A_68 = tpu.memref_squeeze %dma_wait3A_67 : memref<1x128xi32, #tpu.memory_space<vmem>> -> memref<128xi32, #tpu.memory_space<vmem>>
      %dma_wait3A_69 = arith.constant 0 : i32
      %dma_wait3A_70 = arith.constant 0 : i32
      %dma_wait3A_71 = tpu.memref_slice %arg15[%dma_wait3A_69, %dma_wait3A_70] : memref<10240x128xf32, #tpu.memory_space<vmem_shared>> -> memref<10240x128xf32, #tpu.memory_space<vmem_shared>>
      tpu.wait_indirect_dma semaphore(%run_scoped3A_61 : memref<!tpu.dma_semaphore, #tpu.memory_space<semaphore_mem>>) src(%arg13 : memref<128x128xf32, #tpu.memory_space<vmem>>) dst(%dma_wait3A_71 : memref<10240x128xf32, #tpu.memory_space<vmem_shared>>)
      tpu.yield
    }) : () -> ()
    %run_scoped3A_35 = arith.constant 2 : i32
    "tpu.region"() ({
      %run_scoped3A_61 = tpu.sem_alloc : memref<!tpu.dma_semaphore, #tpu.memory_space<semaphore_mem>>
      %dma_start3A = arith.constant 0 : i32
      %dma_start3A_62 = tpu.memref_slice %arg12[%run_scoped3A_35, %dma_start3A] : memref<8x128xi32, #tpu.memory_space<vmem>> -> memref<1x128xi32, #tpu.memory_space<vmem>>
      %dma_start3A_63 = tpu.memref_squeeze %dma_start3A_62 : memref<1x128xi32, #tpu.memory_space<vmem>> -> memref<128xi32, #tpu.memory_space<vmem>>
      %dma_start3A_64 = arith.constant 0 : i32
      %dma_start3A_65 = arith.constant 0 : i32
      %dma_start3A_66 = tpu.memref_slice %arg15[%dma_start3A_64, %dma_start3A_65] : memref<10240x128xf32, #tpu.memory_space<vmem_shared>> -> memref<10240x128xf32, #tpu.memory_space<vmem_shared>>
      tpu.enqueue_indirect_dma source(%arg13 : memref<128x128xf32, #tpu.memory_space<vmem>>) target(%dma_start3A_66 : memref<10240x128xf32, #tpu.memory_space<vmem_shared>>) offsets(%dma_start3A_63 : memref<128xi32, #tpu.memory_space<vmem>>) semaphore(%run_scoped3A_61 : memref<!tpu.dma_semaphore, #tpu.memory_space<semaphore_mem>>)
      %dma_wait3A = arith.constant 0 : i32
      %dma_wait3A_67 = tpu.memref_slice %arg12[%run_scoped3A_35, %dma_wait3A] : memref<8x128xi32, #tpu.memory_space<vmem>> -> memref<1x128xi32, #tpu.memory_space<vmem>>
      %dma_wait3A_68 = tpu.memref_squeeze %dma_wait3A_67 : memref<1x128xi32, #tpu.memory_space<vmem>> -> memref<128xi32, #tpu.memory_space<vmem>>
      %dma_wait3A_69 = arith.constant 0 : i32
      %dma_wait3A_70 = arith.constant 0 : i32
      %dma_wait3A_71 = tpu.memref_slice %arg15[%dma_wait3A_69, %dma_wait3A_70] : memref<10240x128xf32, #tpu.memory_space<vmem_shared>> -> memref<10240x128xf32, #tpu.memory_space<vmem_shared>>
      tpu.wait_indirect_dma semaphore(%run_scoped3A_61 : memref<!tpu.dma_semaphore, #tpu.memory_space<semaphore_mem>>) src(%arg13 : memref<128x128xf32, #tpu.memory_space<vmem>>) dst(%dma_wait3A_71 : memref<10240x128xf32, #tpu.memory_space<vmem_shared>>)
      tpu.yield
    }) : () -> ()
    %run_scoped3A_36 = arith.constant 3 : i32
    "tpu.region"() ({
      %run_scoped3A_61 = tpu.sem_alloc : memref<!tpu.dma_semaphore, #tpu.memory_space<semaphore_mem>>
      %dma_start3A = arith.constant 0 : i32
      %dma_start3A_62 = tpu.memref_slice %arg12[%run_scoped3A_36, %dma_start3A] : memref<8x128xi32, #tpu.memory_space<vmem>> -> memref<1x128xi32, #tpu.memory_space<vmem>>
      %dma_start3A_63 = tpu.memref_squeeze %dma_start3A_62 : memref<1x128xi32, #tpu.memory_space<vmem>> -> memref<128xi32, #tpu.memory_space<vmem>>
      %dma_start3A_64 = arith.constant 0 : i32
      %dma_start3A_65 = arith.constant 0 : i32
      %dma_start3A_66 = tpu.memref_slice %arg15[%dma_start3A_64, %dma_start3A_65] : memref<10240x128xf32, #tpu.memory_space<vmem_shared>> -> memref<10240x128xf32, #tpu.memory_space<vmem_shared>>
      tpu.enqueue_indirect_dma source(%arg13 : memref<128x128xf32, #tpu.memory_space<vmem>>) target(%dma_start3A_66 : memref<10240x128xf32, #tpu.memory_space<vmem_shared>>) offsets(%dma_start3A_63 : memref<128xi32, #tpu.memory_space<vmem>>) semaphore(%run_scoped3A_61 : memref<!tpu.dma_semaphore, #tpu.memory_space<semaphore_mem>>)
      %dma_wait3A = arith.constant 0 : i32
      %dma_wait3A_67 = tpu.memref_slice %arg12[%run_scoped3A_36, %dma_wait3A] : memref<8x128xi32, #tpu.memory_space<vmem>> -> memref<1x128xi32, #tpu.memory_space<vmem>>
      %dma_wait3A_68 = tpu.memref_squeeze %dma_wait3A_67 : memref<1x128xi32, #tpu.memory_space<vmem>> -> memref<128xi32, #tpu.memory_space<vmem>>
      %dma_wait3A_69 = arith.constant 0 : i32
      %dma_wait3A_70 = arith.constant 0 : i32
      %dma_wait3A_71 = tpu.memref_slice %arg15[%dma_wait3A_69, %dma_wait3A_70] : memref<10240x128xf32, #tpu.memory_space<vmem_shared>> -> memref<10240x128xf32, #tpu.memory_space<vmem_shared>>
      tpu.wait_indirect_dma semaphore(%run_scoped3A_61 : memref<!tpu.dma_semaphore, #tpu.memory_space<semaphore_mem>>) src(%arg13 : memref<128x128xf32, #tpu.memory_space<vmem>>) dst(%dma_wait3A_71 : memref<10240x128xf32, #tpu.memory_space<vmem_shared>>)
      tpu.yield
    }) : () -> ()
    %run_scoped3A_37 = arith.constant 4 : i32
    "tpu.region"() ({
      %run_scoped3A_61 = tpu.sem_alloc : memref<!tpu.dma_semaphore, #tpu.memory_space<semaphore_mem>>
      %dma_start3A = arith.constant 0 : i32
      %dma_start3A_62 = tpu.memref_slice %arg12[%run_scoped3A_37, %dma_start3A] : memref<8x128xi32, #tpu.memory_space<vmem>> -> memref<1x128xi32, #tpu.memory_space<vmem>>
      %dma_start3A_63 = tpu.memref_squeeze %dma_start3A_62 : memref<1x128xi32, #tpu.memory_space<vmem>> -> memref<128xi32, #tpu.memory_space<vmem>>
      %dma_start3A_64 = arith.constant 0 : i32
      %dma_start3A_65 = arith.constant 0 : i32
      %dma_start3A_66 = tpu.memref_slice %arg15[%dma_start3A_64, %dma_start3A_65] : memref<10240x128xf32, #tpu.memory_space<vmem_shared>> -> memref<10240x128xf32, #tpu.memory_space<vmem_shared>>
      tpu.enqueue_indirect_dma source(%arg13 : memref<128x128xf32, #tpu.memory_space<vmem>>) target(%dma_start3A_66 : memref<10240x128xf32, #tpu.memory_space<vmem_shared>>) offsets(%dma_start3A_63 : memref<128xi32, #tpu.memory_space<vmem>>) semaphore(%run_scoped3A_61 : memref<!tpu.dma_semaphore, #tpu.memory_space<semaphore_mem>>)
      %dma_wait3A = arith.constant 0 : i32
      %dma_wait3A_67 = tpu.memref_slice %arg12[%run_scoped3A_37, %dma_wait3A] : memref<8x128xi32, #tpu.memory_space<vmem>> -> memref<1x128xi32, #tpu.memory_space<vmem>>
      %dma_wait3A_68 = tpu.memref_squeeze %dma_wait3A_67 : memref<1x128xi32, #tpu.memory_space<vmem>> -> memref<128xi32, #tpu.memory_space<vmem>>
      %dma_wait3A_69 = arith.constant 0 : i32
      %dma_wait3A_70 = arith.constant 0 : i32
      %dma_wait3A_71 = tpu.memref_slice %arg15[%dma_wait3A_69, %dma_wait3A_70] : memref<10240x128xf32, #tpu.memory_space<vmem_shared>> -> memref<10240x128xf32, #tpu.memory_space<vmem_shared>>
      tpu.wait_indirect_dma semaphore(%run_scoped3A_61 : memref<!tpu.dma_semaphore, #tpu.memory_space<semaphore_mem>>) src(%arg13 : memref<128x128xf32, #tpu.memory_space<vmem>>) dst(%dma_wait3A_71 : memref<10240x128xf32, #tpu.memory_space<vmem_shared>>)
      tpu.yield
    }) : () -> ()
    "tpu.region"() ({
      %run_scoped3A_61 = tpu.sem_alloc : memref<!tpu.dma_semaphore, #tpu.memory_space<semaphore_mem>>
      tpu.enqueue_dma source(%arg7 : memref<128x128xf32, #tpu.memory_space<hbm>>) target(%arg13 : memref<128x128xf32, #tpu.memory_space<vmem>>) target_semaphore(%run_scoped3A_61 : memref<!tpu.dma_semaphore, #tpu.memory_space<semaphore_mem>>)
      tpu.wait_dma2 semaphore(%run_scoped3A_61 : memref<!tpu.dma_semaphore, #tpu.memory_space<semaphore_mem>>) src(%arg7 : memref<128x128xf32, #tpu.memory_space<hbm>>) dst(%arg13 : memref<128x128xf32, #tpu.memory_space<vmem>>)
      tpu.yield
    }) : () -> ()
    %barrier3A_38 = arith.constant 0 : index
    tpu.barrier barrier_id(%barrier3A_38)
    %scan3A_39 = arith.constant 0 : i32
    %scan3A_40 = arith.constant 0 : i32
    %scan3A_41 = arith.constant 10 : i32
    %scan3A_42 = arith.addi %scan3A_40, %scan3A_41 : i32
    %scan3A_43 = arith.constant 1 : i32
    scf.for %scan3A_61 = %scan3A_40 to %scan3A_42 step %scan3A_43  : i32 {
      %mul3A_62 = arith.constant 8 : i32
      %mul3A_63 = arith.muli %scan3A_61, %mul3A_62 : i32
      %add3A_64 = arith.addi %mul3A_2, %mul3A_63 : i32
      %multiple_of3A = tpu.assume_multiple %add3A_64, 8 : i32
      "tpu.region"() ({
        %run_scoped3A_175 = tpu.sem_alloc : memref<!tpu.dma_semaphore, #tpu.memory_space<semaphore_mem>>
        %dma_start3A_176 = arith.constant 0 : i32
        %dma_start3A_177 = tpu.memref_slice %arg4[%multiple_of3A, %dma_start3A_176] : memref<2560x128xi32, #tpu.memory_space<hbm>> -> memref<8x128xi32, #tpu.memory_space<hbm>>
        %dma_start3A_178 = arith.constant 0 : i32
        %dma_start3A_179 = tpu.memref_slice %arg4[%multiple_of3A, %dma_start3A_178] : memref<2560x128xi32, #tpu.memory_space<hbm>> -> memref<8x128xi32, #tpu.memory_space<hbm>>
        tpu.enqueue_dma source(%dma_start3A_179 : memref<8x128xi32, #tpu.memory_space<hbm>>) target(%arg11 : memref<8x128xi32, #tpu.memory_space<vmem>>) target_semaphore(%run_scoped3A_175 : memref<!tpu.dma_semaphore, #tpu.memory_space<semaphore_mem>>)
        %dma_wait3A_180 = arith.constant 0 : i32
        %dma_wait3A_181 = tpu.memref_slice %arg4[%multiple_of3A, %dma_wait3A_180] : memref<2560x128xi32, #tpu.memory_space<hbm>> -> memref<8x128xi32, #tpu.memory_space<hbm>>
        %dma_wait3A_182 = arith.constant 0 : i32
        %dma_wait3A_183 = tpu.memref_slice %arg4[%multiple_of3A, %dma_wait3A_182] : memref<2560x128xi32, #tpu.memory_space<hbm>> -> memref<8x128xi32, #tpu.memory_space<hbm>>
        tpu.wait_dma2 semaphore(%run_scoped3A_175 : memref<!tpu.dma_semaphore, #tpu.memory_space<semaphore_mem>>) src(%dma_wait3A_183 : memref<8x128xi32, #tpu.memory_space<hbm>>) dst(%arg11 : memref<8x128xi32, #tpu.memory_space<vmem>>)
        tpu.yield
      }) : () -> ()
      %dma_start3A = arith.constant 0 : i32
      %dma_start3A_65 = arith.constant 0 : i32
      %dma_start3A_66 = tpu.memref_slice %arg11[%dma_start3A, %dma_start3A_65] : memref<8x128xi32, #tpu.memory_space<vmem>> -> memref<1x128xi32, #tpu.memory_space<vmem>>
      %dma_start3A_67 = tpu.memref_squeeze %dma_start3A_66 : memref<1x128xi32, #tpu.memory_space<vmem>> -> memref<128xi32, #tpu.memory_space<vmem>>
      %dma_start3A_68 = arith.constant 0 : i32
      %dma_start3A_69 = arith.constant 0 : i32
      %dma_start3A_70 = tpu.memref_slice %arg15[%dma_start3A_68, %dma_start3A_69] : memref<10240x128xf32, #tpu.memory_space<vmem_shared>> -> memref<10240x128xf32, #tpu.memory_space<vmem_shared>>
      tpu.enqueue_indirect_dma source(%arg13 : memref<128x128xf32, #tpu.memory_space<vmem>>) target(%dma_start3A_70 : memref<10240x128xf32, #tpu.memory_space<vmem_shared>>) offsets(%dma_start3A_67 : memref<128xi32, #tpu.memory_space<vmem>>) semaphore(%arg16 : memref<!tpu.dma_semaphore, #tpu.memory_space<semaphore_mem>>) {add = true}
      %dma_start3A_71 = arith.constant 1 : i32
      %dma_start3A_72 = arith.constant 0 : i32
      %dma_start3A_73 = tpu.memref_slice %arg11[%dma_start3A_71, %dma_start3A_72] : memref<8x128xi32, #tpu.memory_space<vmem>> -> memref<1x128xi32, #tpu.memory_space<vmem>>
      %dma_start3A_74 = tpu.memref_squeeze %dma_start3A_73 : memref<1x128xi32, #tpu.memory_space<vmem>> -> memref<128xi32, #tpu.memory_space<vmem>>
      %dma_start3A_75 = arith.constant 0 : i32
      %dma_start3A_76 = arith.constant 0 : i32
      %dma_start3A_77 = tpu.memref_slice %arg15[%dma_start3A_75, %dma_start3A_76] : memref<10240x128xf32, #tpu.memory_space<vmem_shared>> -> memref<10240x128xf32, #tpu.memory_space<vmem_shared>>
      tpu.enqueue_indirect_dma source(%arg13 : memref<128x128xf32, #tpu.memory_space<vmem>>) target(%dma_start3A_77 : memref<10240x128xf32, #tpu.memory_space<vmem_shared>>) offsets(%dma_start3A_74 : memref<128xi32, #tpu.memory_space<vmem>>) semaphore(%arg16 : memref<!tpu.dma_semaphore, #tpu.memory_space<semaphore_mem>>) {add = true}
      %dma_start3A_78 = arith.constant 2 : i32
      %dma_start3A_79 = arith.constant 0 : i32
      %dma_start3A_80 = tpu.memref_slice %arg11[%dma_start3A_78, %dma_start3A_79] : memref<8x128xi32, #tpu.memory_space<vmem>> -> memref<1x128xi32, #tpu.memory_space<vmem>>
      %dma_start3A_81 = tpu.memref_squeeze %dma_start3A_80 : memref<1x128xi32, #tpu.memory_space<vmem>> -> memref<128xi32, #tpu.memory_space<vmem>>
      %dma_start3A_82 = arith.constant 0 : i32
      %dma_start3A_83 = arith.constant 0 : i32
      %dma_start3A_84 = tpu.memref_slice %arg15[%dma_start3A_82, %dma_start3A_83] : memref<10240x128xf32, #tpu.memory_space<vmem_shared>> -> memref<10240x128xf32, #tpu.memory_space<vmem_shared>>
      tpu.enqueue_indirect_dma source(%arg13 : memref<128x128xf32, #tpu.memory_space<vmem>>) target(%dma_start3A_84 : memref<10240x128xf32, #tpu.memory_space<vmem_shared>>) offsets(%dma_start3A_81 : memref<128xi32, #tpu.memory_space<vmem>>) semaphore(%arg16 : memref<!tpu.dma_semaphore, #tpu.memory_space<semaphore_mem>>) {add = true}
      %dma_start3A_85 = arith.constant 3 : i32
      %dma_start3A_86 = arith.constant 0 : i32
      %dma_start3A_87 = tpu.memref_slice %arg11[%dma_start3A_85, %dma_start3A_86] : memref<8x128xi32, #tpu.memory_space<vmem>> -> memref<1x128xi32, #tpu.memory_space<vmem>>
      %dma_start3A_88 = tpu.memref_squeeze %dma_start3A_87 : memref<1x128xi32, #tpu.memory_space<vmem>> -> memref<128xi32, #tpu.memory_space<vmem>>
      %dma_start3A_89 = arith.constant 0 : i32
      %dma_start3A_90 = arith.constant 0 : i32
      %dma_start3A_91 = tpu.memref_slice %arg15[%dma_start3A_89, %dma_start3A_90] : memref<10240x128xf32, #tpu.memory_space<vmem_shared>> -> memref<10240x128xf32, #tpu.memory_space<vmem_shared>>
      tpu.enqueue_indirect_dma source(%arg13 : memref<128x128xf32, #tpu.memory_space<vmem>>) target(%dma_start3A_91 : memref<10240x128xf32, #tpu.memory_space<vmem_shared>>) offsets(%dma_start3A_88 : memref<128xi32, #tpu.memory_space<vmem>>) semaphore(%arg16 : memref<!tpu.dma_semaphore, #tpu.memory_space<semaphore_mem>>) {add = true}
      %dma_start3A_92 = arith.constant 4 : i32
      %dma_start3A_93 = arith.constant 0 : i32
      %dma_start3A_94 = tpu.memref_slice %arg11[%dma_start3A_92, %dma_start3A_93] : memref<8x128xi32, #tpu.memory_space<vmem>> -> memref<1x128xi32, #tpu.memory_space<vmem>>
      %dma_start3A_95 = tpu.memref_squeeze %dma_start3A_94 : memref<1x128xi32, #tpu.memory_space<vmem>> -> memref<128xi32, #tpu.memory_space<vmem>>
      %dma_start3A_96 = arith.constant 0 : i32
      %dma_start3A_97 = arith.constant 0 : i32
      %dma_start3A_98 = tpu.memref_slice %arg15[%dma_start3A_96, %dma_start3A_97] : memref<10240x128xf32, #tpu.memory_space<vmem_shared>> -> memref<10240x128xf32, #tpu.memory_space<vmem_shared>>
      tpu.enqueue_indirect_dma source(%arg13 : memref<128x128xf32, #tpu.memory_space<vmem>>) target(%dma_start3A_98 : memref<10240x128xf32, #tpu.memory_space<vmem_shared>>) offsets(%dma_start3A_95 : memref<128xi32, #tpu.memory_space<vmem>>) semaphore(%arg16 : memref<!tpu.dma_semaphore, #tpu.memory_space<semaphore_mem>>) {add = true}
      %dma_start3A_99 = arith.constant 5 : i32
      %dma_start3A_100 = arith.constant 0 : i32
      %dma_start3A_101 = tpu.memref_slice %arg11[%dma_start3A_99, %dma_start3A_100] : memref<8x128xi32, #tpu.memory_space<vmem>> -> memref<1x128xi32, #tpu.memory_space<vmem>>
      %dma_start3A_102 = tpu.memref_squeeze %dma_start3A_101 : memref<1x128xi32, #tpu.memory_space<vmem>> -> memref<128xi32, #tpu.memory_space<vmem>>
      %dma_start3A_103 = arith.constant 0 : i32
      %dma_start3A_104 = arith.constant 0 : i32
      %dma_start3A_105 = tpu.memref_slice %arg15[%dma_start3A_103, %dma_start3A_104] : memref<10240x128xf32, #tpu.memory_space<vmem_shared>> -> memref<10240x128xf32, #tpu.memory_space<vmem_shared>>
      tpu.enqueue_indirect_dma source(%arg13 : memref<128x128xf32, #tpu.memory_space<vmem>>) target(%dma_start3A_105 : memref<10240x128xf32, #tpu.memory_space<vmem_shared>>) offsets(%dma_start3A_102 : memref<128xi32, #tpu.memory_space<vmem>>) semaphore(%arg16 : memref<!tpu.dma_semaphore, #tpu.memory_space<semaphore_mem>>) {add = true}
      %dma_start3A_106 = arith.constant 6 : i32
      %dma_start3A_107 = arith.constant 0 : i32
      %dma_start3A_108 = tpu.memref_slice %arg11[%dma_start3A_106, %dma_start3A_107] : memref<8x128xi32, #tpu.memory_space<vmem>> -> memref<1x128xi32, #tpu.memory_space<vmem>>
      %dma_start3A_109 = tpu.memref_squeeze %dma_start3A_108 : memref<1x128xi32, #tpu.memory_space<vmem>> -> memref<128xi32, #tpu.memory_space<vmem>>
      %dma_start3A_110 = arith.constant 0 : i32
      %dma_start3A_111 = arith.constant 0 : i32
      %dma_start3A_112 = tpu.memref_slice %arg15[%dma_start3A_110, %dma_start3A_111] : memref<10240x128xf32, #tpu.memory_space<vmem_shared>> -> memref<10240x128xf32, #tpu.memory_space<vmem_shared>>
      tpu.enqueue_indirect_dma source(%arg13 : memref<128x128xf32, #tpu.memory_space<vmem>>) target(%dma_start3A_112 : memref<10240x128xf32, #tpu.memory_space<vmem_shared>>) offsets(%dma_start3A_109 : memref<128xi32, #tpu.memory_space<vmem>>) semaphore(%arg16 : memref<!tpu.dma_semaphore, #tpu.memory_space<semaphore_mem>>) {add = true}
      %dma_start3A_113 = arith.constant 7 : i32
      %dma_start3A_114 = arith.constant 0 : i32
      %dma_start3A_115 = tpu.memref_slice %arg11[%dma_start3A_113, %dma_start3A_114] : memref<8x128xi32, #tpu.memory_space<vmem>> -> memref<1x128xi32, #tpu.memory_space<vmem>>
      %dma_start3A_116 = tpu.memref_squeeze %dma_start3A_115 : memref<1x128xi32, #tpu.memory_space<vmem>> -> memref<128xi32, #tpu.memory_space<vmem>>
      %dma_start3A_117 = arith.constant 0 : i32
      %dma_start3A_118 = arith.constant 0 : i32
      %dma_start3A_119 = tpu.memref_slice %arg15[%dma_start3A_117, %dma_start3A_118] : memref<10240x128xf32, #tpu.memory_space<vmem_shared>> -> memref<10240x128xf32, #tpu.memory_space<vmem_shared>>
      tpu.enqueue_indirect_dma source(%arg13 : memref<128x128xf32, #tpu.memory_space<vmem>>) target(%dma_start3A_119 : memref<10240x128xf32, #tpu.memory_space<vmem_shared>>) offsets(%dma_start3A_116 : memref<128xi32, #tpu.memory_space<vmem>>) semaphore(%arg16 : memref<!tpu.dma_semaphore, #tpu.memory_space<semaphore_mem>>) {add = true}
      %dma_wait3A = arith.constant 0 : i32
      %dma_wait3A_120 = arith.constant 0 : i32
      %dma_wait3A_121 = tpu.memref_slice %arg11[%dma_wait3A, %dma_wait3A_120] : memref<8x128xi32, #tpu.memory_space<vmem>> -> memref<1x128xi32, #tpu.memory_space<vmem>>
      %dma_wait3A_122 = tpu.memref_squeeze %dma_wait3A_121 : memref<1x128xi32, #tpu.memory_space<vmem>> -> memref<128xi32, #tpu.memory_space<vmem>>
      %dma_wait3A_123 = arith.constant 0 : i32
      %dma_wait3A_124 = arith.constant 0 : i32
      %dma_wait3A_125 = tpu.memref_slice %arg15[%dma_wait3A_123, %dma_wait3A_124] : memref<10240x128xf32, #tpu.memory_space<vmem_shared>> -> memref<10240x128xf32, #tpu.memory_space<vmem_shared>>
      tpu.wait_indirect_dma semaphore(%arg16 : memref<!tpu.dma_semaphore, #tpu.memory_space<semaphore_mem>>) src(%arg13 : memref<128x128xf32, #tpu.memory_space<vmem>>) dst(%dma_wait3A_125 : memref<10240x128xf32, #tpu.memory_space<vmem_shared>>)
      %dma_wait3A_126 = arith.constant 1 : i32
      %dma_wait3A_127 = arith.constant 0 : i32
      %dma_wait3A_128 = tpu.memref_slice %arg11[%dma_wait3A_126, %dma_wait3A_127] : memref<8x128xi32, #tpu.memory_space<vmem>> -> memref<1x128xi32, #tpu.memory_space<vmem>>
      %dma_wait3A_129 = tpu.memref_squeeze %dma_wait3A_128 : memref<1x128xi32, #tpu.memory_space<vmem>> -> memref<128xi32, #tpu.memory_space<vmem>>
      %dma_wait3A_130 = arith.constant 0 : i32
      %dma_wait3A_131 = arith.constant 0 : i32
      %dma_wait3A_132 = tpu.memref_slice %arg15[%dma_wait3A_130, %dma_wait3A_131] : memref<10240x128xf32, #tpu.memory_space<vmem_shared>> -> memref<10240x128xf32, #tpu.memory_space<vmem_shared>>
      tpu.wait_indirect_dma semaphore(%arg16 : memref<!tpu.dma_semaphore, #tpu.memory_space<semaphore_mem>>) src(%arg13 : memref<128x128xf32, #tpu.memory_space<vmem>>) dst(%dma_wait3A_132 : memref<10240x128xf32, #tpu.memory_space<vmem_shared>>)
      %dma_wait3A_133 = arith.constant 2 : i32
      %dma_wait3A_134 = arith.constant 0 : i32
      %dma_wait3A_135 = tpu.memref_slice %arg11[%dma_wait3A_133, %dma_wait3A_134] : memref<8x128xi32, #tpu.memory_space<vmem>> -> memref<1x128xi32, #tpu.memory_space<vmem>>
      %dma_wait3A_136 = tpu.memref_squeeze %dma_wait3A_135 : memref<1x128xi32, #tpu.memory_space<vmem>> -> memref<128xi32, #tpu.memory_space<vmem>>
      %dma_wait3A_137 = arith.constant 0 : i32
      %dma_wait3A_138 = arith.constant 0 : i32
      %dma_wait3A_139 = tpu.memref_slice %arg15[%dma_wait3A_137, %dma_wait3A_138] : memref<10240x128xf32, #tpu.memory_space<vmem_shared>> -> memref<10240x128xf32, #tpu.memory_space<vmem_shared>>
      tpu.wait_indirect_dma semaphore(%arg16 : memref<!tpu.dma_semaphore, #tpu.memory_space<semaphore_mem>>) src(%arg13 : memref<128x128xf32, #tpu.memory_space<vmem>>) dst(%dma_wait3A_139 : memref<10240x128xf32, #tpu.memory_space<vmem_shared>>)
      %dma_wait3A_140 = arith.constant 3 : i32
      %dma_wait3A_141 = arith.constant 0 : i32
      %dma_wait3A_142 = tpu.memref_slice %arg11[%dma_wait3A_140, %dma_wait3A_141] : memref<8x128xi32, #tpu.memory_space<vmem>> -> memref<1x128xi32, #tpu.memory_space<vmem>>
      %dma_wait3A_143 = tpu.memref_squeeze %dma_wait3A_142 : memref<1x128xi32, #tpu.memory_space<vmem>> -> memref<128xi32, #tpu.memory_space<vmem>>
      %dma_wait3A_144 = arith.constant 0 : i32
      %dma_wait3A_145 = arith.constant 0 : i32
      %dma_wait3A_146 = tpu.memref_slice %arg15[%dma_wait3A_144, %dma_wait3A_145] : memref<10240x128xf32, #tpu.memory_space<vmem_shared>> -> memref<10240x128xf32, #tpu.memory_space<vmem_shared>>
      tpu.wait_indirect_dma semaphore(%arg16 : memref<!tpu.dma_semaphore, #tpu.memory_space<semaphore_mem>>) src(%arg13 : memref<128x128xf32, #tpu.memory_space<vmem>>) dst(%dma_wait3A_146 : memref<10240x128xf32, #tpu.memory_space<vmem_shared>>)
      %dma_wait3A_147 = arith.constant 4 : i32
      %dma_wait3A_148 = arith.constant 0 : i32
      %dma_wait3A_149 = tpu.memref_slice %arg11[%dma_wait3A_147, %dma_wait3A_148] : memref<8x128xi32, #tpu.memory_space<vmem>> -> memref<1x128xi32, #tpu.memory_space<vmem>>
      %dma_wait3A_150 = tpu.memref_squeeze %dma_wait3A_149 : memref<1x128xi32, #tpu.memory_space<vmem>> -> memref<128xi32, #tpu.memory_space<vmem>>
      %dma_wait3A_151 = arith.constant 0 : i32
      %dma_wait3A_152 = arith.constant 0 : i32
      %dma_wait3A_153 = tpu.memref_slice %arg15[%dma_wait3A_151, %dma_wait3A_152] : memref<10240x128xf32, #tpu.memory_space<vmem_shared>> -> memref<10240x128xf32, #tpu.memory_space<vmem_shared>>
      tpu.wait_indirect_dma semaphore(%arg16 : memref<!tpu.dma_semaphore, #tpu.memory_space<semaphore_mem>>) src(%arg13 : memref<128x128xf32, #tpu.memory_space<vmem>>) dst(%dma_wait3A_153 : memref<10240x128xf32, #tpu.memory_space<vmem_shared>>)
      %dma_wait3A_154 = arith.constant 5 : i32
      %dma_wait3A_155 = arith.constant 0 : i32
      %dma_wait3A_156 = tpu.memref_slice %arg11[%dma_wait3A_154, %dma_wait3A_155] : memref<8x128xi32, #tpu.memory_space<vmem>> -> memref<1x128xi32, #tpu.memory_space<vmem>>
      %dma_wait3A_157 = tpu.memref_squeeze %dma_wait3A_156 : memref<1x128xi32, #tpu.memory_space<vmem>> -> memref<128xi32, #tpu.memory_space<vmem>>
      %dma_wait3A_158 = arith.constant 0 : i32
      %dma_wait3A_159 = arith.constant 0 : i32
      %dma_wait3A_160 = tpu.memref_slice %arg15[%dma_wait3A_158, %dma_wait3A_159] : memref<10240x128xf32, #tpu.memory_space<vmem_shared>> -> memref<10240x128xf32, #tpu.memory_space<vmem_shared>>
      tpu.wait_indirect_dma semaphore(%arg16 : memref<!tpu.dma_semaphore, #tpu.memory_space<semaphore_mem>>) src(%arg13 : memref<128x128xf32, #tpu.memory_space<vmem>>) dst(%dma_wait3A_160 : memref<10240x128xf32, #tpu.memory_space<vmem_shared>>)
      %dma_wait3A_161 = arith.constant 6 : i32
      %dma_wait3A_162 = arith.constant 0 : i32
      %dma_wait3A_163 = tpu.memref_slice %arg11[%dma_wait3A_161, %dma_wait3A_162] : memref<8x128xi32, #tpu.memory_space<vmem>> -> memref<1x128xi32, #tpu.memory_space<vmem>>
      %dma_wait3A_164 = tpu.memref_squeeze %dma_wait3A_163 : memref<1x128xi32, #tpu.memory_space<vmem>> -> memref<128xi32, #tpu.memory_space<vmem>>
      %dma_wait3A_165 = arith.constant 0 : i32
      %dma_wait3A_166 = arith.constant 0 : i32
      %dma_wait3A_167 = tpu.memref_slice %arg15[%dma_wait3A_165, %dma_wait3A_166] : memref<10240x128xf32, #tpu.memory_space<vmem_shared>> -> memref<10240x128xf32, #tpu.memory_space<vmem_shared>>
      tpu.wait_indirect_dma semaphore(%arg16 : memref<!tpu.dma_semaphore, #tpu.memory_space<semaphore_mem>>) src(%arg13 : memref<128x128xf32, #tpu.memory_space<vmem>>) dst(%dma_wait3A_167 : memref<10240x128xf32, #tpu.memory_space<vmem_shared>>)
      %dma_wait3A_168 = arith.constant 7 : i32
      %dma_wait3A_169 = arith.constant 0 : i32
      %dma_wait3A_170 = tpu.memref_slice %arg11[%dma_wait3A_168, %dma_wait3A_169] : memref<8x128xi32, #tpu.memory_space<vmem>> -> memref<1x128xi32, #tpu.memory_space<vmem>>
      %dma_wait3A_171 = tpu.memref_squeeze %dma_wait3A_170 : memref<1x128xi32, #tpu.memory_space<vmem>> -> memref<128xi32, #tpu.memory_space<vmem>>
      %dma_wait3A_172 = arith.constant 0 : i32
      %dma_wait3A_173 = arith.constant 0 : i32
      %dma_wait3A_174 = tpu.memref_slice %arg15[%dma_wait3A_172, %dma_wait3A_173] : memref<10240x128xf32, #tpu.memory_space<vmem_shared>> -> memref<10240x128xf32, #tpu.memory_space<vmem_shared>>
      tpu.wait_indirect_dma semaphore(%arg16 : memref<!tpu.dma_semaphore, #tpu.memory_space<semaphore_mem>>) src(%arg13 : memref<128x128xf32, #tpu.memory_space<vmem>>) dst(%dma_wait3A_174 : memref<10240x128xf32, #tpu.memory_space<vmem_shared>>)
    }
    %scan3A_44 = arith.constant 10 : i32
    %barrier3A_45 = arith.constant 0 : index
    tpu.barrier barrier_id(%barrier3A_45)
    %run_scoped3A_46 = arith.constant 0 : i32
    "tpu.region"() ({
      %run_scoped3A_61 = tpu.sem_alloc : memref<!tpu.dma_semaphore, #tpu.memory_space<semaphore_mem>>
      %dma_start3A = arith.constant 0 : i32
      %dma_start3A_62 = tpu.memref_slice %arg12[%run_scoped3A_46, %dma_start3A] : memref<8x128xi32, #tpu.memory_space<vmem>> -> memref<1x128xi32, #tpu.memory_space<vmem>>
      %dma_start3A_63 = tpu.memref_squeeze %dma_start3A_62 : memref<1x128xi32, #tpu.memory_space<vmem>> -> memref<128xi32, #tpu.memory_space<vmem>>
      %dma_start3A_64 = arith.constant 0 : i32
      %dma_start3A_65 = arith.constant 0 : i32
      %dma_start3A_66 = tpu.memref_slice %arg15[%dma_start3A_64, %dma_start3A_65] : memref<10240x128xf32, #tpu.memory_space<vmem_shared>> -> memref<10240x128xf32, #tpu.memory_space<vmem_shared>>
      tpu.enqueue_indirect_dma source(%dma_start3A_66 : memref<10240x128xf32, #tpu.memory_space<vmem_shared>>) target(%arg13 : memref<128x128xf32, #tpu.memory_space<vmem>>) offsets(%dma_start3A_63 : memref<128xi32, #tpu.memory_space<vmem>>) semaphore(%run_scoped3A_61 : memref<!tpu.dma_semaphore, #tpu.memory_space<semaphore_mem>>)
      %dma_wait3A = arith.constant 0 : i32
      %dma_wait3A_67 = tpu.memref_slice %arg12[%run_scoped3A_46, %dma_wait3A] : memref<8x128xi32, #tpu.memory_space<vmem>> -> memref<1x128xi32, #tpu.memory_space<vmem>>
      %dma_wait3A_68 = tpu.memref_squeeze %dma_wait3A_67 : memref<1x128xi32, #tpu.memory_space<vmem>> -> memref<128xi32, #tpu.memory_space<vmem>>
      %dma_wait3A_69 = arith.constant 0 : i32
      %dma_wait3A_70 = arith.constant 0 : i32
      %dma_wait3A_71 = tpu.memref_slice %arg15[%dma_wait3A_69, %dma_wait3A_70] : memref<10240x128xf32, #tpu.memory_space<vmem_shared>> -> memref<10240x128xf32, #tpu.memory_space<vmem_shared>>
      tpu.wait_indirect_dma semaphore(%run_scoped3A_61 : memref<!tpu.dma_semaphore, #tpu.memory_space<semaphore_mem>>) src(%dma_wait3A_71 : memref<10240x128xf32, #tpu.memory_space<vmem_shared>>) dst(%arg13 : memref<128x128xf32, #tpu.memory_space<vmem>>)
      tpu.yield
    }) : () -> ()
    %add3A_47 = arith.constant 0 : i32
    %add3A_48 = arith.addi %add3A_7, %add3A_47 : i32
    "tpu.region"() ({
      %run_scoped3A_61 = tpu.sem_alloc : memref<!tpu.dma_semaphore, #tpu.memory_space<semaphore_mem>>
      %dma_start3A = arith.constant 0 : i32
      %dma_start3A_62 = tpu.memref_slice %arg9[%add3A_48, %dma_start3A] : memref<20480x128xf32, #tpu.memory_space<hbm>> -> memref<128x128xf32, #tpu.memory_space<hbm>>
      %dma_start3A_63 = arith.constant 0 : i32
      %dma_start3A_64 = tpu.memref_slice %arg9[%add3A_48, %dma_start3A_63] : memref<20480x128xf32, #tpu.memory_space<hbm>> -> memref<128x128xf32, #tpu.memory_space<hbm>>
      tpu.enqueue_dma source(%arg13 : memref<128x128xf32, #tpu.memory_space<vmem>>) target(%dma_start3A_64 : memref<128x128xf32, #tpu.memory_space<hbm>>) target_semaphore(%run_scoped3A_61 : memref<!tpu.dma_semaphore, #tpu.memory_space<semaphore_mem>>)
      %dma_wait3A = arith.constant 0 : i32
      %dma_wait3A_65 = tpu.memref_slice %arg9[%add3A_48, %dma_wait3A] : memref<20480x128xf32, #tpu.memory_space<hbm>> -> memref<128x128xf32, #tpu.memory_space<hbm>>
      %dma_wait3A_66 = arith.constant 0 : i32
      %dma_wait3A_67 = tpu.memref_slice %arg9[%add3A_48, %dma_wait3A_66] : memref<20480x128xf32, #tpu.memory_space<hbm>> -> memref<128x128xf32, #tpu.memory_space<hbm>>
      tpu.wait_dma2 semaphore(%run_scoped3A_61 : memref<!tpu.dma_semaphore, #tpu.memory_space<semaphore_mem>>) src(%arg13 : memref<128x128xf32, #tpu.memory_space<vmem>>) dst(%dma_wait3A_67 : memref<128x128xf32, #tpu.memory_space<hbm>>)
      tpu.yield
    }) : () -> ()
    %run_scoped3A_49 = arith.constant 1 : i32
    "tpu.region"() ({
      %run_scoped3A_61 = tpu.sem_alloc : memref<!tpu.dma_semaphore, #tpu.memory_space<semaphore_mem>>
      %dma_start3A = arith.constant 0 : i32
      %dma_start3A_62 = tpu.memref_slice %arg12[%run_scoped3A_49, %dma_start3A] : memref<8x128xi32, #tpu.memory_space<vmem>> -> memref<1x128xi32, #tpu.memory_space<vmem>>
      %dma_start3A_63 = tpu.memref_squeeze %dma_start3A_62 : memref<1x128xi32, #tpu.memory_space<vmem>> -> memref<128xi32, #tpu.memory_space<vmem>>
      %dma_start3A_64 = arith.constant 0 : i32
      %dma_start3A_65 = arith.constant 0 : i32
      %dma_start3A_66 = tpu.memref_slice %arg15[%dma_start3A_64, %dma_start3A_65] : memref<10240x128xf32, #tpu.memory_space<vmem_shared>> -> memref<10240x128xf32, #tpu.memory_space<vmem_shared>>
      tpu.enqueue_indirect_dma source(%dma_start3A_66 : memref<10240x128xf32, #tpu.memory_space<vmem_shared>>) target(%arg13 : memref<128x128xf32, #tpu.memory_space<vmem>>) offsets(%dma_start3A_63 : memref<128xi32, #tpu.memory_space<vmem>>) semaphore(%run_scoped3A_61 : memref<!tpu.dma_semaphore, #tpu.memory_space<semaphore_mem>>)
      %dma_wait3A = arith.constant 0 : i32
      %dma_wait3A_67 = tpu.memref_slice %arg12[%run_scoped3A_49, %dma_wait3A] : memref<8x128xi32, #tpu.memory_space<vmem>> -> memref<1x128xi32, #tpu.memory_space<vmem>>
      %dma_wait3A_68 = tpu.memref_squeeze %dma_wait3A_67 : memref<1x128xi32, #tpu.memory_space<vmem>> -> memref<128xi32, #tpu.memory_space<vmem>>
      %dma_wait3A_69 = arith.constant 0 : i32
      %dma_wait3A_70 = arith.constant 0 : i32
      %dma_wait3A_71 = tpu.memref_slice %arg15[%dma_wait3A_69, %dma_wait3A_70] : memref<10240x128xf32, #tpu.memory_space<vmem_shared>> -> memref<10240x128xf32, #tpu.memory_space<vmem_shared>>
      tpu.wait_indirect_dma semaphore(%run_scoped3A_61 : memref<!tpu.dma_semaphore, #tpu.memory_space<semaphore_mem>>) src(%dma_wait3A_71 : memref<10240x128xf32, #tpu.memory_space<vmem_shared>>) dst(%arg13 : memref<128x128xf32, #tpu.memory_space<vmem>>)
      tpu.yield
    }) : () -> ()
    %add3A_50 = arith.constant 128 : i32
    %add3A_51 = arith.addi %add3A_7, %add3A_50 : i32
    "tpu.region"() ({
      %run_scoped3A_61 = tpu.sem_alloc : memref<!tpu.dma_semaphore, #tpu.memory_space<semaphore_mem>>
      %dma_start3A = arith.constant 0 : i32
      %dma_start3A_62 = tpu.memref_slice %arg9[%add3A_51, %dma_start3A] : memref<20480x128xf32, #tpu.memory_space<hbm>> -> memref<128x128xf32, #tpu.memory_space<hbm>>
      %dma_start3A_63 = arith.constant 0 : i32
      %dma_start3A_64 = tpu.memref_slice %arg9[%add3A_51, %dma_start3A_63] : memref<20480x128xf32, #tpu.memory_space<hbm>> -> memref<128x128xf32, #tpu.memory_space<hbm>>
      tpu.enqueue_dma source(%arg13 : memref<128x128xf32, #tpu.memory_space<vmem>>) target(%dma_start3A_64 : memref<128x128xf32, #tpu.memory_space<hbm>>) target_semaphore(%run_scoped3A_61 : memref<!tpu.dma_semaphore, #tpu.memory_space<semaphore_mem>>)
      %dma_wait3A = arith.constant 0 : i32
      %dma_wait3A_65 = tpu.memref_slice %arg9[%add3A_51, %dma_wait3A] : memref<20480x128xf32, #tpu.memory_space<hbm>> -> memref<128x128xf32, #tpu.memory_space<hbm>>
      %dma_wait3A_66 = arith.constant 0 : i32
      %dma_wait3A_67 = tpu.memref_slice %arg9[%add3A_51, %dma_wait3A_66] : memref<20480x128xf32, #tpu.memory_space<hbm>> -> memref<128x128xf32, #tpu.memory_space<hbm>>
      tpu.wait_dma2 semaphore(%run_scoped3A_61 : memref<!tpu.dma_semaphore, #tpu.memory_space<semaphore_mem>>) src(%arg13 : memref<128x128xf32, #tpu.memory_space<vmem>>) dst(%dma_wait3A_67 : memref<128x128xf32, #tpu.memory_space<hbm>>)
      tpu.yield
    }) : () -> ()
    %run_scoped3A_52 = arith.constant 2 : i32
    "tpu.region"() ({
      %run_scoped3A_61 = tpu.sem_alloc : memref<!tpu.dma_semaphore, #tpu.memory_space<semaphore_mem>>
      %dma_start3A = arith.constant 0 : i32
      %dma_start3A_62 = tpu.memref_slice %arg12[%run_scoped3A_52, %dma_start3A] : memref<8x128xi32, #tpu.memory_space<vmem>> -> memref<1x128xi32, #tpu.memory_space<vmem>>
      %dma_start3A_63 = tpu.memref_squeeze %dma_start3A_62 : memref<1x128xi32, #tpu.memory_space<vmem>> -> memref<128xi32, #tpu.memory_space<vmem>>
      %dma_start3A_64 = arith.constant 0 : i32
      %dma_start3A_65 = arith.constant 0 : i32
      %dma_start3A_66 = tpu.memref_slice %arg15[%dma_start3A_64, %dma_start3A_65] : memref<10240x128xf32, #tpu.memory_space<vmem_shared>> -> memref<10240x128xf32, #tpu.memory_space<vmem_shared>>
      tpu.enqueue_indirect_dma source(%dma_start3A_66 : memref<10240x128xf32, #tpu.memory_space<vmem_shared>>) target(%arg13 : memref<128x128xf32, #tpu.memory_space<vmem>>) offsets(%dma_start3A_63 : memref<128xi32, #tpu.memory_space<vmem>>) semaphore(%run_scoped3A_61 : memref<!tpu.dma_semaphore, #tpu.memory_space<semaphore_mem>>)
      %dma_wait3A = arith.constant 0 : i32
      %dma_wait3A_67 = tpu.memref_slice %arg12[%run_scoped3A_52, %dma_wait3A] : memref<8x128xi32, #tpu.memory_space<vmem>> -> memref<1x128xi32, #tpu.memory_space<vmem>>
      %dma_wait3A_68 = tpu.memref_squeeze %dma_wait3A_67 : memref<1x128xi32, #tpu.memory_space<vmem>> -> memref<128xi32, #tpu.memory_space<vmem>>
      %dma_wait3A_69 = arith.constant 0 : i32
      %dma_wait3A_70 = arith.constant 0 : i32
      %dma_wait3A_71 = tpu.memref_slice %arg15[%dma_wait3A_69, %dma_wait3A_70] : memref<10240x128xf32, #tpu.memory_space<vmem_shared>> -> memref<10240x128xf32, #tpu.memory_space<vmem_shared>>
      tpu.wait_indirect_dma semaphore(%run_scoped3A_61 : memref<!tpu.dma_semaphore, #tpu.memory_space<semaphore_mem>>) src(%dma_wait3A_71 : memref<10240x128xf32, #tpu.memory_space<vmem_shared>>) dst(%arg13 : memref<128x128xf32, #tpu.memory_space<vmem>>)
      tpu.yield
    }) : () -> ()
    %add3A_53 = arith.constant 256 : i32
    %add3A_54 = arith.addi %add3A_7, %add3A_53 : i32
    "tpu.region"() ({
      %run_scoped3A_61 = tpu.sem_alloc : memref<!tpu.dma_semaphore, #tpu.memory_space<semaphore_mem>>
      %dma_start3A = arith.constant 0 : i32
      %dma_start3A_62 = tpu.memref_slice %arg9[%add3A_54, %dma_start3A] : memref<20480x128xf32, #tpu.memory_space<hbm>> -> memref<128x128xf32, #tpu.memory_space<hbm>>
      %dma_start3A_63 = arith.constant 0 : i32
      %dma_start3A_64 = tpu.memref_slice %arg9[%add3A_54, %dma_start3A_63] : memref<20480x128xf32, #tpu.memory_space<hbm>> -> memref<128x128xf32, #tpu.memory_space<hbm>>
      tpu.enqueue_dma source(%arg13 : memref<128x128xf32, #tpu.memory_space<vmem>>) target(%dma_start3A_64 : memref<128x128xf32, #tpu.memory_space<hbm>>) target_semaphore(%run_scoped3A_61 : memref<!tpu.dma_semaphore, #tpu.memory_space<semaphore_mem>>)
      %dma_wait3A = arith.constant 0 : i32
      %dma_wait3A_65 = tpu.memref_slice %arg9[%add3A_54, %dma_wait3A] : memref<20480x128xf32, #tpu.memory_space<hbm>> -> memref<128x128xf32, #tpu.memory_space<hbm>>
      %dma_wait3A_66 = arith.constant 0 : i32
      %dma_wait3A_67 = tpu.memref_slice %arg9[%add3A_54, %dma_wait3A_66] : memref<20480x128xf32, #tpu.memory_space<hbm>> -> memref<128x128xf32, #tpu.memory_space<hbm>>
      tpu.wait_dma2 semaphore(%run_scoped3A_61 : memref<!tpu.dma_semaphore, #tpu.memory_space<semaphore_mem>>) src(%arg13 : memref<128x128xf32, #tpu.memory_space<vmem>>) dst(%dma_wait3A_67 : memref<128x128xf32, #tpu.memory_space<hbm>>)
      tpu.yield
    }) : () -> ()
    %run_scoped3A_55 = arith.constant 3 : i32
    "tpu.region"() ({
      %run_scoped3A_61 = tpu.sem_alloc : memref<!tpu.dma_semaphore, #tpu.memory_space<semaphore_mem>>
      %dma_start3A = arith.constant 0 : i32
      %dma_start3A_62 = tpu.memref_slice %arg12[%run_scoped3A_55, %dma_start3A] : memref<8x128xi32, #tpu.memory_space<vmem>> -> memref<1x128xi32, #tpu.memory_space<vmem>>
      %dma_start3A_63 = tpu.memref_squeeze %dma_start3A_62 : memref<1x128xi32, #tpu.memory_space<vmem>> -> memref<128xi32, #tpu.memory_space<vmem>>
      %dma_start3A_64 = arith.constant 0 : i32
      %dma_start3A_65 = arith.constant 0 : i32
      %dma_start3A_66 = tpu.memref_slice %arg15[%dma_start3A_64, %dma_start3A_65] : memref<10240x128xf32, #tpu.memory_space<vmem_shared>> -> memref<10240x128xf32, #tpu.memory_space<vmem_shared>>
      tpu.enqueue_indirect_dma source(%dma_start3A_66 : memref<10240x128xf32, #tpu.memory_space<vmem_shared>>) target(%arg13 : memref<128x128xf32, #tpu.memory_space<vmem>>) offsets(%dma_start3A_63 : memref<128xi32, #tpu.memory_space<vmem>>) semaphore(%run_scoped3A_61 : memref<!tpu.dma_semaphore, #tpu.memory_space<semaphore_mem>>)
      %dma_wait3A = arith.constant 0 : i32
      %dma_wait3A_67 = tpu.memref_slice %arg12[%run_scoped3A_55, %dma_wait3A] : memref<8x128xi32, #tpu.memory_space<vmem>> -> memref<1x128xi32, #tpu.memory_space<vmem>>
      %dma_wait3A_68 = tpu.memref_squeeze %dma_wait3A_67 : memref<1x128xi32, #tpu.memory_space<vmem>> -> memref<128xi32, #tpu.memory_space<vmem>>
      %dma_wait3A_69 = arith.constant 0 : i32
      %dma_wait3A_70 = arith.constant 0 : i32
      %dma_wait3A_71 = tpu.memref_slice %arg15[%dma_wait3A_69, %dma_wait3A_70] : memref<10240x128xf32, #tpu.memory_space<vmem_shared>> -> memref<10240x128xf32, #tpu.memory_space<vmem_shared>>
      tpu.wait_indirect_dma semaphore(%run_scoped3A_61 : memref<!tpu.dma_semaphore, #tpu.memory_space<semaphore_mem>>) src(%dma_wait3A_71 : memref<10240x128xf32, #tpu.memory_space<vmem_shared>>) dst(%arg13 : memref<128x128xf32, #tpu.memory_space<vmem>>)
      tpu.yield
    }) : () -> ()
    %add3A_56 = arith.constant 384 : i32
    %add3A_57 = arith.addi %add3A_7, %add3A_56 : i32
    "tpu.region"() ({
      %run_scoped3A_61 = tpu.sem_alloc : memref<!tpu.dma_semaphore, #tpu.memory_space<semaphore_mem>>
      %dma_start3A = arith.constant 0 : i32
      %dma_start3A_62 = tpu.memref_slice %arg9[%add3A_57, %dma_start3A] : memref<20480x128xf32, #tpu.memory_space<hbm>> -> memref<128x128xf32, #tpu.memory_space<hbm>>
      %dma_start3A_63 = arith.constant 0 : i32
      %dma_start3A_64 = tpu.memref_slice %arg9[%add3A_57, %dma_start3A_63] : memref<20480x128xf32, #tpu.memory_space<hbm>> -> memref<128x128xf32, #tpu.memory_space<hbm>>
      tpu.enqueue_dma source(%arg13 : memref<128x128xf32, #tpu.memory_space<vmem>>) target(%dma_start3A_64 : memref<128x128xf32, #tpu.memory_space<hbm>>) target_semaphore(%run_scoped3A_61 : memref<!tpu.dma_semaphore, #tpu.memory_space<semaphore_mem>>)
      %dma_wait3A = arith.constant 0 : i32
      %dma_wait3A_65 = tpu.memref_slice %arg9[%add3A_57, %dma_wait3A] : memref<20480x128xf32, #tpu.memory_space<hbm>> -> memref<128x128xf32, #tpu.memory_space<hbm>>
      %dma_wait3A_66 = arith.constant 0 : i32
      %dma_wait3A_67 = tpu.memref_slice %arg9[%add3A_57, %dma_wait3A_66] : memref<20480x128xf32, #tpu.memory_space<hbm>> -> memref<128x128xf32, #tpu.memory_space<hbm>>
      tpu.wait_dma2 semaphore(%run_scoped3A_61 : memref<!tpu.dma_semaphore, #tpu.memory_space<semaphore_mem>>) src(%arg13 : memref<128x128xf32, #tpu.memory_space<vmem>>) dst(%dma_wait3A_67 : memref<128x128xf32, #tpu.memory_space<hbm>>)
      tpu.yield
    }) : () -> ()
    %run_scoped3A_58 = arith.constant 4 : i32
    "tpu.region"() ({
      %run_scoped3A_61 = tpu.sem_alloc : memref<!tpu.dma_semaphore, #tpu.memory_space<semaphore_mem>>
      %dma_start3A = arith.constant 0 : i32
      %dma_start3A_62 = tpu.memref_slice %arg12[%run_scoped3A_58, %dma_start3A] : memref<8x128xi32, #tpu.memory_space<vmem>> -> memref<1x128xi32, #tpu.memory_space<vmem>>
      %dma_start3A_63 = tpu.memref_squeeze %dma_start3A_62 : memref<1x128xi32, #tpu.memory_space<vmem>> -> memref<128xi32, #tpu.memory_space<vmem>>
      %dma_start3A_64 = arith.constant 0 : i32
      %dma_start3A_65 = arith.constant 0 : i32
      %dma_start3A_66 = tpu.memref_slice %arg15[%dma_start3A_64, %dma_start3A_65] : memref<10240x128xf32, #tpu.memory_space<vmem_shared>> -> memref<10240x128xf32, #tpu.memory_space<vmem_shared>>
      tpu.enqueue_indirect_dma source(%dma_start3A_66 : memref<10240x128xf32, #tpu.memory_space<vmem_shared>>) target(%arg13 : memref<128x128xf32, #tpu.memory_space<vmem>>) offsets(%dma_start3A_63 : memref<128xi32, #tpu.memory_space<vmem>>) semaphore(%run_scoped3A_61 : memref<!tpu.dma_semaphore, #tpu.memory_space<semaphore_mem>>)
      %dma_wait3A = arith.constant 0 : i32
      %dma_wait3A_67 = tpu.memref_slice %arg12[%run_scoped3A_58, %dma_wait3A] : memref<8x128xi32, #tpu.memory_space<vmem>> -> memref<1x128xi32, #tpu.memory_space<vmem>>
      %dma_wait3A_68 = tpu.memref_squeeze %dma_wait3A_67 : memref<1x128xi32, #tpu.memory_space<vmem>> -> memref<128xi32, #tpu.memory_space<vmem>>
      %dma_wait3A_69 = arith.constant 0 : i32
      %dma_wait3A_70 = arith.constant 0 : i32
      %dma_wait3A_71 = tpu.memref_slice %arg15[%dma_wait3A_69, %dma_wait3A_70] : memref<10240x128xf32, #tpu.memory_space<vmem_shared>> -> memref<10240x128xf32, #tpu.memory_space<vmem_shared>>
      tpu.wait_indirect_dma semaphore(%run_scoped3A_61 : memref<!tpu.dma_semaphore, #tpu.memory_space<semaphore_mem>>) src(%dma_wait3A_71 : memref<10240x128xf32, #tpu.memory_space<vmem_shared>>) dst(%arg13 : memref<128x128xf32, #tpu.memory_space<vmem>>)
      tpu.yield
    }) : () -> ()
    %add3A_59 = arith.constant 512 : i32
    %add3A_60 = arith.addi %add3A_7, %add3A_59 : i32
    "tpu.region"() ({
      %run_scoped3A_61 = tpu.sem_alloc : memref<!tpu.dma_semaphore, #tpu.memory_space<semaphore_mem>>
      %dma_start3A = arith.constant 0 : i32
      %dma_start3A_62 = tpu.memref_slice %arg9[%add3A_60, %dma_start3A] : memref<20480x128xf32, #tpu.memory_space<hbm>> -> memref<128x128xf32, #tpu.memory_space<hbm>>
      %dma_start3A_63 = arith.constant 0 : i32
      %dma_start3A_64 = tpu.memref_slice %arg9[%add3A_60, %dma_start3A_63] : memref<20480x128xf32, #tpu.memory_space<hbm>> -> memref<128x128xf32, #tpu.memory_space<hbm>>
      tpu.enqueue_dma source(%arg13 : memref<128x128xf32, #tpu.memory_space<vmem>>) target(%dma_start3A_64 : memref<128x128xf32, #tpu.memory_space<hbm>>) target_semaphore(%run_scoped3A_61 : memref<!tpu.dma_semaphore, #tpu.memory_space<semaphore_mem>>)
      %dma_wait3A = arith.constant 0 : i32
      %dma_wait3A_65 = tpu.memref_slice %arg9[%add3A_60, %dma_wait3A] : memref<20480x128xf32, #tpu.memory_space<hbm>> -> memref<128x128xf32, #tpu.memory_space<hbm>>
      %dma_wait3A_66 = arith.constant 0 : i32
      %dma_wait3A_67 = tpu.memref_slice %arg9[%add3A_60, %dma_wait3A_66] : memref<20480x128xf32, #tpu.memory_space<hbm>> -> memref<128x128xf32, #tpu.memory_space<hbm>>
      tpu.wait_dma2 semaphore(%run_scoped3A_61 : memref<!tpu.dma_semaphore, #tpu.memory_space<semaphore_mem>>) src(%arg13 : memref<128x128xf32, #tpu.memory_space<vmem>>) dst(%dma_wait3A_67 : memref<128x128xf32, #tpu.memory_space<hbm>>)
      tpu.yield
    }) : () -> ()
    return
  }
}

module attributes {stable_mosaic.version = 14 : i64} {
  func.func @_tc_body(%arg0: i32, %arg1: memref<1000x128xf32, #tpu.memory_space<vmem>>, %arg2: memref<1000x128xf32, #tpu.memory_space<vmem>>, %arg3: memref<1000x128xf32, #tpu.memory_space<vmem>>, %arg4: memref<1000x1xf32, #tpu.memory_space<vmem>>, %arg5: memref<1000x1xf32, #tpu.memory_space<vmem>>, %arg6: memref<128x128xf32, #tpu.memory_space<vmem>>, %arg7: memref<128x128xf32, #tpu.memory_space<vmem>>, %arg8: memref<1x128xf32, #tpu.memory_space<vmem>>, %arg9: memref<1000x128xf32, #tpu.memory_space<vmem>>) attributes {dimension_semantics = [#tpu.dimension_semantics<arbitrary>], iteration_bounds = array<i64: 10>, scalar_prefetch = 0 : i64, scratch_operands = 0 : i64, tpu.core_type = #tpu.core_type<tc>, window_params = [{transform_indices = @transform_0, window_bounds = array<i64: 1000, 128>}, {transform_indices = @transform_1, window_bounds = array<i64: 1000, 128>}, {transform_indices = @transform_2, window_bounds = array<i64: 1000, 128>}, {transform_indices = @transform_3, window_bounds = array<i64: 1000, 1>}, {transform_indices = @transform_4, window_bounds = array<i64: 1000, 1>}, {pipeline_mode = #tpu.pipeline_mode<synchronous>, transform_indices = @transform_5, window_bounds = array<i64: 128, 128>}, {pipeline_mode = #tpu.pipeline_mode<synchronous>, transform_indices = @transform_6, window_bounds = array<i64: 128, 128>}, {pipeline_mode = #tpu.pipeline_mode<synchronous>, transform_indices = @transform_7, window_bounds = array<i64: 1, 128>}, {transform_indices = @transform_8, window_bounds = array<i64: 1000, 128>}]} {
    %get3A = arith.constant 0 : index
    %get3A_0 = arith.constant 0 : index
    %get3A_1 = vector.load %arg4[%get3A, %get3A_0] : memref<1000x1xf32, #tpu.memory_space<vmem>>, vector<1000x1xf32>
    %get3A_2 = arith.constant 0 : index
    %get3A_3 = arith.constant 0 : index
    %get3A_4 = vector.load %arg5[%get3A_2, %get3A_3] : memref<1000x1xf32, #tpu.memory_space<vmem>>, vector<1000x1xf32>
    %add3A = arith.addf %get3A_1, %get3A_4 : vector<1000x1xf32>
    %max3A = arith.constant 1.000000e+00 : f32
    %max3A_5 = vector.broadcast %max3A : f32 to vector<1000x1xf32>
    %max3A_6 = arith.maximumf %add3A, %max3A_5 : vector<1000x1xf32>
    %get3A_7 = arith.constant 0 : index
    %get3A_8 = arith.constant 0 : index
    %get3A_9 = vector.load %arg2[%get3A_7, %get3A_8] : memref<1000x128xf32, #tpu.memory_space<vmem>>, vector<1000x128xf32>
    %get3A_10 = arith.constant 0 : index
    %get3A_11 = arith.constant 0 : index
    %get3A_12 = vector.load %arg3[%get3A_10, %get3A_11] : memref<1000x128xf32, #tpu.memory_space<vmem>>, vector<1000x128xf32>
    %add3A_13 = arith.addf %get3A_9, %get3A_12 : vector<1000x128xf32>
    %div3A = vector.broadcast %max3A_6 : vector<1000x1xf32> to vector<1000x128xf32>
    %div3A_14 = arith.divf %add3A_13, %div3A : vector<1000x128xf32>
    %get3A_15 = arith.constant 0 : index
    %get3A_16 = arith.constant 0 : index
    %get3A_17 = vector.load %arg1[%get3A_15, %get3A_16] : memref<1000x128xf32, #tpu.memory_space<vmem>>, vector<1000x128xf32>
    %get3A_18 = arith.constant 0 : index
    %get3A_19 = arith.constant 0 : index
    %get3A_20 = vector.load %arg6[%get3A_18, %get3A_19] : memref<128x128xf32, #tpu.memory_space<vmem>>, vector<128x128xf32>
    %dot_general3A = arith.constant dense<0.000000e+00> : vector<1000x128xf32>
    %dot_general3A_21 = tpu.matmul %get3A_17, %get3A_20, %dot_general3A {dimension_numbers = #tpu.dot_dimension_numbers<[1], [0], [0], [1], [0, 0, 1, 1], [], []>, transpose_lhs_hint = false} : vector<1000x128xf32>, vector<128x128xf32>, vector<1000x128xf32> -> vector<1000x128xf32>
    %get3A_22 = arith.constant 0 : index
    %get3A_23 = arith.constant 0 : index
    %get3A_24 = vector.load %arg7[%get3A_22, %get3A_23] : memref<128x128xf32, #tpu.memory_space<vmem>>, vector<128x128xf32>
    %dot_general3A_25 = arith.constant dense<0.000000e+00> : vector<1000x128xf32>
    %dot_general3A_26 = tpu.matmul %div3A_14, %get3A_24, %dot_general3A_25 {dimension_numbers = #tpu.dot_dimension_numbers<[1], [0], [0], [1], [0, 0, 1, 1], [], []>, transpose_lhs_hint = false} : vector<1000x128xf32>, vector<128x128xf32>, vector<1000x128xf32> -> vector<1000x128xf32>
    %add3A_27 = arith.addf %dot_general3A_21, %dot_general3A_26 : vector<1000x128xf32>
    %get3A_28 = arith.constant 0 : index
    %get3A_29 = arith.constant 0 : index
    %get3A_30 = vector.load %arg8[%get3A_28, %get3A_29] : memref<1x128xf32, #tpu.memory_space<vmem>>, vector<1x128xf32>
    %add3A_31 = vector.broadcast %get3A_30 : vector<1x128xf32> to vector<1000x128xf32>
    %add3A_32 = arith.addf %add3A_27, %add3A_31 : vector<1000x128xf32>
    %max3A_33 = arith.constant 0.000000e+00 : f32
    %max3A_34 = vector.broadcast %max3A_33 : f32 to vector<1000x128xf32>
    %max3A_35 = arith.maximumf %add3A_32, %max3A_34 : vector<1000x128xf32>
    %swap3A = arith.constant 0 : index
    %swap3A_36 = arith.constant 0 : index
    %swap3A_37 = vector.load %arg9[%swap3A, %swap3A_36] : memref<1000x128xf32, #tpu.memory_space<vmem>>, vector<1000x128xf32>
    tpu.vector_store %arg9[%swap3A, %swap3A_36], %max3A_35 {strides = array<i32>} : memref<1000x128xf32, #tpu.memory_space<vmem>>, vector<1000x128xf32>,
    return
  }
  func.func @transform_0(%arg0: i32) -> (i32, i32) {
    %c0_i32 = arith.constant 0 : i32
    %c0_i32_0 = arith.constant 0 : i32
    return %arg0, %c0_i32 : i32, i32
  }
  func.func @transform_1(%arg0: i32) -> (i32, i32) {
    %c0_i32 = arith.constant 0 : i32
    %c0_i32_0 = arith.constant 0 : i32
    return %arg0, %c0_i32 : i32, i32
  }
  func.func @transform_2(%arg0: i32) -> (i32, i32) {
    %c0_i32 = arith.constant 0 : i32
    %c0_i32_0 = arith.constant 0 : i32
    return %arg0, %c0_i32 : i32, i32
  }
  func.func @transform_3(%arg0: i32) -> (i32, i32) {
    %c0_i32 = arith.constant 0 : i32
    %c0_i32_0 = arith.constant 0 : i32
    return %arg0, %c0_i32 : i32, i32
  }
  func.func @transform_4(%arg0: i32) -> (i32, i32) {
    %c0_i32 = arith.constant 0 : i32
    %c0_i32_0 = arith.constant 0 : i32
    return %arg0, %c0_i32 : i32, i32
  }
  func.func @transform_5(%arg0: i32) -> (i32, i32) {
    %c0_i32 = arith.constant 0 : i32
    %c0_i32_0 = arith.constant 0 : i32
    %c0_i32_1 = arith.constant 0 : i32
    return %c0_i32, %c0_i32_0 : i32, i32
  }
  func.func @transform_6(%arg0: i32) -> (i32, i32) {
    %c0_i32 = arith.constant 0 : i32
    %c0_i32_0 = arith.constant 0 : i32
    %c0_i32_1 = arith.constant 0 : i32
    return %c0_i32, %c0_i32_0 : i32, i32
  }
  func.func @transform_7(%arg0: i32) -> (i32, i32) {
    %c0_i32 = arith.constant 0 : i32
    %c0_i32_0 = arith.constant 0 : i32
    %c0_i32_1 = arith.constant 0 : i32
    return %c0_i32, %c0_i32_0 : i32, i32
  }
  func.func @transform_8(%arg0: i32) -> (i32, i32) {
    %c0_i32 = arith.constant 0 : i32
    %c0_i32_0 = arith.constant 0 : i32
    return %arg0, %c0_i32 : i32, i32
  }
}

</mosaic_0001>

<sc_bundles>
// kernel: kernel.4.cloned.1.call-start
scs
__scs_entry_jumppad:
0x0: {  	(pc) =	sbr.rel $0x88, $3  }
0x1: {  	(tag) =	ssettag $0x0;
	lr =	simm.s32 $0x1  }
0x2: {  	[smem:$0x3F9C] =	sst lr;
	_ =	strace $0xD0000000  }
0x3: {  	_ = 	snop  }
0x4: {  	_ = 	snop  }
0x5: {  	_ = 	snop  }
0x6: {  	_ = 	snop  }
0x7: {  	_ = 	snop  }
__scs_overlays_trampoline_lowered:
0x8: {  	[smem:$0x3FAB] =	sst s0  }
0x9: {  	[smem:$0x3FAC] =	sst s1  }
0xa: {  	[smem:$0x3FAD] =	sst s2  }
0xb: {  	[smem:$0x3FAE] =	sst s3  }
0xc: {  	[smem:$0x3FAF] =	sst s4  }
0xd: {  	[smem:$0x3FB0] =	sst s5  }
0xe: {  	[smem:$0x3FB1] =	sst s6  }
0xf: {  	[smem:$0x3FB2] =	sst s7  }
0x10: {  	[smem:$0x3FB3] =	sst s8  }
0x11: {  	[smem:$0x3FB4] =	sst s9;
	s0 =	simm.s32 @!p0 $0x0  }
0x12: {  	s1 =	sld [smem:$0x3F9A];
	s0 =	simm.s32 @p0 $0x1  }
0x13: {  	[smem:$0x3FB5] =	sst s0;
	s0 =	simm.s32 @!p1 $0x0  }
0x14: {  	s2 =	sld [smem:$0x3F99];
	s0 =	simm.s32 @p1 $0x1  }
0x15: {  	[smem:$0x3FB6] =	sst s0;
	s0 =	simm.s32 @!p2 $0x0  }
0x16: {  	s3 =	sld [smem:$0x3FDB];
	s0 =	simm.s32 @p2 $0x1  }
0x17: {  	s4 =	simm.s32 $0x1BF5;
	[smem:$0x3FB8] =	sst s0  }
0x18: {  	s0 =	sld [smem:$0x3F9B];
	_ =	swait.ge [sflag:s4], $0x0  }
0x19: {  	s7 =	sld [smem:$0x3F9C]  }
0x1a: {  	s8 =	sadd.s32 $0xFFFFE003, lr  }
0x1b: {  	s9 =	sadd.s32 $0xFFFFFEF7, lr;
	s5 =	simm.s32 $0xFFFFFFFF;
	p2 =	slt.u32 s8, $0xFFFFF086  }
0x1c: {  	p1 =	slt.u32 s9, $0xF7A;
	s5 =	simm.s32 @!p2 $0x0  }
0x1d: {  	s5 =	simm.s32 @p1 $0x1;
	p0 =	seq.s32 s7, s2  }
0x1e: {  	s7 =	smul.u32 @!p0 $0xF7A, s2;
	p2 =	seq.s32 @!p0 s5, $0x0  }
0x1f: {  	s9 =	smul.u32 $0xF7A, s1;
	s8 =	simm.s32 @!p0 $0x1BF5;
	p2 =	por !p2, p0  }
0x20: {  	[sflag:s8] =	ssyncset.s32 @!p0 $0xFFFFF086;
	s6 =	sadd.s32 @!p0 s3, s7;
	s7 =	simm.s32 @!p0 $0x108  }
0x21: {  	s3 =	sadd.s32 s3, s9;
	s6 =	sadd.s32 @!p0 $0x88, s6;
	s7 =	simm.s32 @p2 $0x1082  }
0x22: {  	[simem:s7], [sflag:s8] =	dma.local @!p0 [hbm:s6], $0xF7A  }
0x23: {  	s9 =	sor.u32 $0xD0000000, s2;
	s6 =	simm.s32 $0x108;
	_ =	swait.ge @!p0 [sflag:s8], $0x0  }
0x24: {  	s3 =	sadd.s32 $0x88, s3;
	s6 =	simm.s32 @!p1 $0x1082;
	[sflag:s4] =	ssyncset.s32 $0xFFFFF086  }
0x25: {  	[simem:s6], [sflag:s4] =	dma.local [hbm:s3], $0xF7A  }
0x26: {  	[smem:$0x3F9C] =	sst s1;
	(tag) =	ssettag s2;
	_ =	strace s9  }
0x27: {  	s1 =	sld [smem:$0x3FAC]  }
0x28: {  	s2 =	sld [smem:$0x3FAD]  }
0x29: {  	s4 =	sld [smem:$0x3FAF]  }
0x2a: {  	p0 =	seq.s32 s5, $0x0;
	s5 =	sld [smem:$0x3FB0]  }
0x2b: {  	s6 =	sld [smem:$0x3FB1]  }
0x2c: {  	s7 =	sld [smem:$0x3FB2]  }
0x2d: {  	s3 =	simm.s32 $0x108;
	s8 =	sld [smem:$0x3FB3]  }
0x2e: {  	s3 =	simm.s32 @!p0 $0x1082;
	s9 =	sld [smem:$0x3FB4]  }
0x2f: {  	lr =	sadd.s32 s0, s3;
	s0 =	sld [smem:$0x3FAB]  }
0x30: {  	s3 =	sld [smem:$0x3FAE]  }
0x31: {  	[smem:$0x3FB7] =	sst s10  }
0x32: {  	s10 =	sld [smem:$0x3FB5];
	_ =	sdelay $0x3  }
0x33: {  	p0 =	seq.s32 s10, $0x1;
	s10 =	sld [smem:$0x3FB7];
	_ =	sdelay $0x3  }
0x34: {  	[smem:$0x3FB7] =	sst s10  }
0x35: {  	s10 =	sld [smem:$0x3FB6];
	_ =	sdelay $0x3  }
0x36: {  	p1 =	seq.s32 s10, $0x1;
	s10 =	sld [smem:$0x3FB7];
	_ =	sdelay $0x3  }
0x37: {  	[smem:$0x3FB7] =	sst s10  }
0x38: {  	s10 =	sld [smem:$0x3FB8]  }
0x39: {  	_ = 	snop;
	(pc) =	sbr.ind lr, $3  }
0x3a: {  	_ = 	snop  }
0x3b: {  	_ = 	snop  }
0x3c: {  	p2 =	seq.s32 s10, $0x1;
	s10 =	sld [smem:$0x3FB7]  }
0x3d: {  	_ =	shalt  }
0x3e: {  	_ =	shalt  }
0x3f: {  	_ =	shalt  }
0x40: {  	_ =	shalt  }
0x41: {  	_ =	shalt  }
0x42: {  	_ =	shalt  }
0x43: {  	_ =	shalt  }
0x44: {  	_ =	shalt  }
0x45: {  	_ =	shalt  }
0x46: {  	_ =	shalt  }
0x47: {  	_ =	shalt  }
0x48: {  	_ =	shalt  }
0x49: {  	_ =	shalt  }
0x4a: {  	_ =	shalt  }
0x4b: {  	_ =	shalt  }
0x4c: {  	_ =	shalt  }
0x4d: {  	_ =	shalt  }
0x4e: {  	_ =	shalt  }
0x4f: {  	_ =	shalt  }
0x50: {  	_ =	shalt  }
0x51: {  	_ =	shalt  }
0x52: {  	_ =	shalt  }
0x53: {  	_ =	shalt  }
0x54: {  	_ =	shalt  }
0x55: {  	_ =	shalt  }
0x56: {  	_ =	shalt  }
0x57: {  	_ =	shalt  }
0x58: {  	_ =	shalt  }
0x59: {  	_ =	shalt  }
0x5a: {  	_ =	shalt  }
0x5b: {  	_ =	shalt  }
0x5c: {  	_ =	shalt  }
0x5d: {  	_ =	shalt  }
0x5e: {  	_ =	shalt  }
0x5f: {  	_ =	shalt  }
0x60: {  	_ =	shalt  }
0x61: {  	_ =	shalt  }
0x62: {  	_ =	shalt  }
0x63: {  	_ =	shalt  }
0x64: {  	_ =	shalt  }
0x65: {  	_ =	shalt  }
0x66: {  	_ =	shalt  }
0x67: {  	_ =	shalt  }
0x68: {  	_ =	shalt  }
0x69: {  	_ =	shalt  }
0x6a: {  	_ =	shalt  }
0x6b: {  	_ =	shalt  }
0x6c: {  	_ =	shalt  }
0x6d: {  	_ =	shalt  }
0x6e: {  	_ =	shalt  }
0x6f: {  	_ =	shalt  }
0x70: {  	_ =	shalt  }
0x71: {  	_ =	shalt  }
0x72: {  	_ =	shalt  }
0x73: {  	_ =	shalt  }
0x74: {  	_ =	shalt  }
0x75: {  	_ =	shalt  }
0x76: {  	_ =	shalt  }
0x77: {  	_ =	shalt  }
0x78: {  	_ =	shalt  }
0x79: {  	_ =	shalt  }
0x7a: {  	_ =	shalt  }
0x7b: {  	_ =	shalt  }
0x7c: {  	_ =	shalt  }
0x7d: {  	_ =	shalt  }
0x7e: {  	_ =	shalt  }
0x7f: {  	_ =	shalt  }
0x80: {  	_ =	shalt  }
0x81: {  	_ =	shalt  }
0x82: {  	_ =	shalt  }
0x83: {  	_ =	shalt  }
0x84: {  	_ =	shalt  }
0x85: {  	_ =	shalt  }
0x86: {  	_ =	shalt  }
0x87: {  	_ =	shalt  }
.Lfunc_end0:
.L_simem_size_0:
called_computation_lowered:
.L_overlay_start_0:
0x88: {  	s2 =	sld [smem:$0x3FD9]  }
0x89: {  	s3 =	sld [smem:$0x3FFE];
	_ =	sdelay $0x1  }
0x8a: {  	s1 =	srdreg.scid  }
0x8b: {  	s0 =	sand.u32 $0x1, s1  }
0x8c: {  	s17 =	sshll.u32 s0, $0xA;
	s2 =	sadd.s32 s3, s2  }
0x8d: {  	s2 =	sadd.s32 s2, s17  }
0x8e: {  	[smem:$0x3FC3] =	sst s2  }
0x8f: {  	_ = 	snop  }
0x90: {  	s2 =	sld [smem:$0x3FC9]  }
0x91: {  	s18 =	sld [smem:$0x3FD0];
	(tm) =	ssettm $0x1  }
0x92: {  	s4 =	sld [smem:$0x3FFB];
	_ =	sdelay $0x3  }
0x93: {  	_ =	strace s4  }
0x94: {  	s4 =	sld [smem:$0x3FFC];
	_ =	sdelay $0x3  }
0x95: {  	_ =	strace s4  }
0x96: {  	s4 =	sld [smem:$0x3FFD];
	_ =	sdelay $0x3  }
0x97: {  	_ =	strace s4  }
0x98: {  	_ =	strace $0x8FFFFFFF  }
0x99: {  	s19 =	sld [smem:$0x3FDB];
	_ =	sdelay $0x1  }
0x9a: {  	s5 =	simm.s32 $_scs_section_size  }
0x9b: {  	s6 =	simm.s32 $_size__tile_overlayer_lowered;
	s7 =	simm.s32 $_tile_overlayer_lowered  }
0x9c: {  	s22 =	simm.s32 $0x1BFF;
	s21 =	sshll.u32 s7, $0x1;
	s4 =	sadd.s32 s5, s19  }
0x9d: {  	s8 =	simm.s32 $0x0;
	s20 =	sshll.u32 s6, $0x1;
	s6 =	sadd.s32 s21, s4  }
0x9e: {  	[timem:s8], [sflag:s22] =	dma.local [hbm:s6], s20  }
0x9f: {  	_ =	swait.ge [sflag:s22], s20  }
0xa0: {  	s5 =	ssub.s32 $0x0, s20;
	[sflag:s22] =	ssyncset.done $0x0  }
0xa1: {  	[sflag:s22] =	ssyncadd.s32 s5;
	_ =	sdelay $0x1  }
0xa2: {  	s23 =	simm.s32 $0x1B8B  }
0xa3: {  	_ =	swait.ge [sflag:s23], $0x1  }
0xa4: {  	[sflag:s23] =	ssyncset.done $0x0  }
0xa5: {  	s25 =	simm.s32 $0x1B8E;
	s24 =	sld [smem:$0x3FFE];
	[sflag:s23] =	ssyncadd.s32 $0xFFFFFFFF  }
0xa6: {  	s26 =	simm.s32 $execute0_lowered;
	[smem:$0x3FD2] =	sst s25  }
0xa7: {  	s6 =	sshll.u32 s26, $0x1;
	_ =	strace $0x80000046;
	[dreg:$0x1] =	wrdreg $0xFFFFFFFF  }
0xa8: {  	s28 =	simm.s32 $_size_execute0_lowered;
	s4 =	sadd.s32 s4, s6;
	[dreg:$0x0] =	wrdreg $0x0  }
0xa9: {  	s6 =	sshll.u32 s28, $0x1;
	[dreg:$0x2] =	wrdreg s4  }
0xaa: {  	[dreg:$0x3] =	wrdreg s6  }
0xab: {  	[dreg:$0x4] =	wrdreg $0xC0  }
0xac: {  	_ =	task [dreg:s8], $0x5FFFF  }
0xad: {  	[dreg:$0x1] =	wrdreg $0xFFFFFFFF  }
0xae: {  	[dreg:$0x0] =	wrdreg $0x60  }
0xaf: {  	[dreg:$0x2] =	wrdreg s2  }
0xb0: {  	[dreg:$0x3] =	wrdreg s24  }
0xb1: {  	[dreg:$0x4] =	wrdreg s18  }
0xb2: {  	[dreg:$0x5] =	wrdreg $0x8C000  }
0xb3: {  	[dreg:$0x6] =	wrdreg $0x9  }
0xb4: {  	_ =	task.clear_ibuf [dreg:s8], $0x7FFFF;
	_ =	strace $0x90000046  }
0xb5: {  	s29 =	simm.s32 $0x9;
	_ =	strace $0x80000048  }
0xb6: {  	_ =	swait.ge [sflag:s29], $0x1  }
0xb7: {  	[sflag:s29] =	ssyncadd.s32 $0xFFFFFFFF  }
0xb8: {  	_ =	strace $0x90000048  }
0xb9: {  	_ =	sfence  }
0xba: {  	s30 =	sld [smem:$0x0];
	_ =	sdelay $0x2  }
0xbb: {  	s31 =	sshll.u32 s1, $0xD;
	s1 =	sshrl.u32 s1, $0x2  }
0xbc: {  	s3 =	sand.u32 $0x4000, s31;
	s1 =	sadd.s32 s1, s30  }
0xbd: {  	s0 =	sor.u32 s3, s0;
	s1 =	sshll.u32 s1, $0x11  }
0xbe: {  	s0 =	sor.u32 s1, s0  }
0xbf: {  	s0 =	sadd.s32 $0x8F2B, s0  }
0xc0: {  	[sflag:s0] =	ssyncadd.remote.s32 $0x1  }
0xc1: {  	_ =	sfence.sel $0xFFFF  }
0xc2: {  	[dreg:$0x0] =	wrdreg $0xFFFFFFFF;
	(pc) =	sbr.abs _section_cstart, $3  }
0xc3: {  	[dreg:$0x1] =	wrdreg $0xFFFFFFFF  }
0xc4: {  	_ =	task.clear_ibuf [dreg:s8], $0x2FFFF;
	_ =	strace $0x9FFFFFFF  }
0xc5: {  	(tm) =	ssettm $0x7FFFFFFF  }
tec
execute0_lowered:
.L_overlay_start_1:
0x0: {  	(tag) =	ssettag $0x1  }
0x1: {  	s1 =	rddreg [dreg:$0x0]  }
0x2: {  	s0 =	rddreg [dreg:$0x1]  }
0x3: {  	s2 =	rddreg [dreg:$0x2]  }
0x4: {  	s3 =	rddreg [dreg:$0x3];
	s4 =	simm.s32 $0x0  }
0x5: {  	s10 =	stileid.u32;
	s5 =	srdreg.scid;
	s28 =	simm.s32 $0x900  }
0x6: {  	s29 =	simm.s32 $0xA00;
	s30 =	simm.s32 $0x400;
	s31 =	simm.s32 $0x1  }
0x7: {  	[smem:$0x7FF] =	sst s4;
	s6 =	smul.u32 $0xA00, s10;
	s5 =	sand.u32 $0x1, s5  }
0x8: {  	s9 =	sshll.u32 s10, $0x7;
	s10 =	smul.u32 $0x280, s10;
	s11 =	sadd.s32 $0xC600, s0  }
0x9: {  	s25 =	sadd.s32 $0xBE00, s0;
	s26 =	sadd.s32 $0xCE00, s0;
	_ =	strace $0x80000047  }
0xa: {  	s7 =	smul.u32 $0x2800, s5;
	s9 =	sadd.s32 s9, s0;
	[dreg:$0x5] =	wrdreg s11  }
0xb: {  	[dreg:$0x6] =	wrdreg s25;
	s12 =	ssub.s32 $0x2, s5;
	s5 =	smul.u32 $0x500, s5  }
0xc: {  	s8 =	sadd.s32 s6, s0;
	s0 =	sadd.s32 $0x5CE00, s0;
	s15 =	sshrl.u32 s12, $0x1  }
0xd: {  	s9 =	sadd.s32 $0x1600, s9;
	s24 =	sadd.s32 s6, s2;
	s2 =	simm.s32 $0x2  }
0xe: {  	s6 =	simm.s32 $0x100;
	s7 =	sadd.s32 s10, s7;
	s10 =	ssub.s32 s12, s15  }
0xf: {  	[dreg:$0x7] =	wrdreg s9;
	s9 =	simm.s32 $0x500;
	s12 =	simm.s32 $0x280  }
0x10: {  	s7 =	sshll.u32 s7, $0x4;
	s25 =	smax.u32 s10, $0x1;
	s10 =	simm.s32 $0x200  }
0x11: {  	s16 =	sadd.s32 $0x800, s7;
	s17 =	sadd.s32 s26, s7;
	s19 =	sadd.s32 $0x1000, s7  }
0x12: {  	s20 =	sadd.s32 $0x1800, s7;
	s14 =	sadd.s32 $0x2000, s7;
	[dreg:$0x12] =	wrdreg s25  }
0x13: {  	s7 =	sadd.s32 s0, s7;
	s25 =	simm.s32 $0x800;
	[dreg:$0x8] =	wrdreg s17  }
0x14: {  	s18 =	sadd.s32 s26, s16;
	s13 =	sadd.s32 s26, s19;
	[dreg:$0xd] =	wrdreg s7  }
0x15: {  	s15 =	sadd.s32 s26, s20;
	s11 =	sadd.s32 s26, s14;
	[dreg:$0x9] =	wrdreg s18  }
0x16: {  	s21 =	sadd.s32 s0, s16;
	s22 =	sadd.s32 s0, s19;
	[dreg:$0xa] =	wrdreg s13  }
0x17: {  	s23 =	sadd.s32 s0, s20;
	s0 =	sadd.s32 s0, s14;
	[dreg:$0xb] =	wrdreg s15  }
0x18: {  	s19 =	sadd.s32 s5, s24;
	s26 =	sadd.s32 s5, s8;
	[dreg:$0xc] =	wrdreg s11  }
0x19: {  	s24 =	simm.s32 $0x80;
	s7 =	simm.s32 $0x480;
	[dreg:$0xe] =	wrdreg s21  }
0x1a: {  	s8 =	simm.s32 $0x180;
	s14 =	simm.s32 $0x300;
	[dreg:$0xf] =	wrdreg s22  }
0x1b: {  	s16 =	simm.s32 $0x380;
	s17 =	simm.s32 $0x700;
	[dreg:$0x10] =	wrdreg s23  }
0x1c: {  	[dreg:$0x11] =	wrdreg s0;
	s20 =	sadd.s32 $0x1E00, s26;
	s21 =	simm.s32 $0xC00  }
0x1d: {  	s22 =	simm.s32 $0x3;
	s26 =	simm.s32 $0x980;
	s0 =	simm.s32 $0x4C00  }
0x1e: {  	s11 =	simm.s32 $0x580;
	s13 =	simm.s32 $0x600;
	s23 =	simm.s32 $0x0  }
0x1f: {  	s15 =	simm.s32 $0x680;
	s18 =	simm.s32 $0x780;
	[dreg:$0x13] =	wrdreg s23  }
.LBB2_1:
0x20: {  	s5 =	rddreg [dreg:$0x5]  }
0x21: {  	[tilespmem:s21], [sflag:$0x3] =	stream.linear.gather [hbm4b:s5+s4], $0x4000, $0x38;
	[tilespmem:$0x1CC00] =	vst v63  }
0x22: {  	_ =	swait.ge [sflag:s22], $0x4000  }
0x23: {  	[sflag:s22] =	ssyncset.done $0x0  }
0x24: {  	s23 =	rddreg [dreg:$0x7];
	[sflag:s22] =	ssyncadd.s32 $0xFFFFC000  }
0x25: {  	[tilespmem:s25], [sflag:$0x3] =	stream.linear.gather [hbm4b:s23+s4], $0x400, $0x38;
	[tilespmem:$0x1CC00] =	vst v63  }
0x26: {  	_ =	swait.ge [sflag:s22], $0x400  }
0x27: {  	[sflag:s22] =	ssyncset.done $0x0  }
0x28: {  	[sflag:s22] =	ssyncadd.s32 $0xFFFFFC00  }
0x29: {  	[spmem:s3] =	stream.indirect.scatter [tilespmem:s21], [sflag:$0x3], $0x80, s25, s24, $0xb8;
	[tilespmem:$0x1CC00] =	vst v63  }
0x2a: {  	_ =	swait.ge [sflag:s22], $0x4000  }
0x2b: {  	[sflag:s22] =	ssyncset.done $0x0  }
0x2c: {  	s25 =	simm.s32 $0x880;
	[sflag:s22] =	ssyncadd.s32 $0xFFFFC000  }
0x2d: {  	[spmem:s3] =	stream.indirect.scatter [tilespmem:s21], [sflag:$0x3], $0x80, s25, s24, $0xb8;
	[tilespmem:$0x1CC00] =	vst v63  }
0x2e: {  	_ =	swait.ge [sflag:s22], $0x4000  }
0x2f: {  	[sflag:s22] =	ssyncset.done $0x0  }
0x30: {  	[sflag:s22] =	ssyncadd.s32 $0xFFFFC000  }
0x31: {  	[spmem:s3] =	stream.indirect.scatter [tilespmem:s21], [sflag:$0x3], $0x80, s28, s24, $0xb8;
	[tilespmem:$0x1CC00] =	vst v63  }
0x32: {  	_ =	swait.ge [sflag:s22], $0x4000  }
0x33: {  	[sflag:s22] =	ssyncset.done $0x0  }
0x34: {  	[sflag:s22] =	ssyncadd.s32 $0xFFFFC000  }
0x35: {  	[spmem:s3] =	stream.indirect.scatter [tilespmem:s21], [sflag:$0x3], $0x80, s26, s24, $0xb8;
	[tilespmem:$0x1CC00] =	vst v63  }
0x36: {  	_ =	swait.ge [sflag:s22], $0x4000  }
0x37: {  	[sflag:s22] =	ssyncset.done $0x0  }
0x38: {  	[sflag:s22] =	ssyncadd.s32 $0xFFFFC000  }
0x39: {  	[spmem:s3] =	stream.indirect.scatter [tilespmem:s21], [sflag:$0x3], $0x80, s29, s24, $0xb8;
	[tilespmem:$0x1CC00] =	vst v63  }
0x3a: {  	_ =	swait.ge [sflag:s22], $0x4000  }
0x3b: {  	[sflag:s22] =	ssyncset.done $0x0  }
0x3c: {  	[sflag:s22] =	ssyncadd.s32 $0xFFFFC000  }
0x3d: {  	s28 =	sadd.s32 $0x0, s20;
	[bflag:$0x0] =	sbarrier.arrive $0xFFFF  }
0x3e: {  	[tilespmem:s4], [sflag:$0x3] =	stream.linear.gather [hbm4b:s28+s4], $0x400, $0x38;
	[tilespmem:$0x1CC00] =	vst v63  }
0x3f: {  	_ =	swait.ge [sflag:s22], $0x400  }
0x40: {  	[sflag:s22] =	ssyncset.done $0x0  }
0x41: {  	s29 =	sadd.s32 $0x0, s19;
	[sflag:s22] =	ssyncadd.s32 $0xFFFFFC00  }
0x42: {  	[tilespmem:s30], [sflag:$0x3] =	stream.linear.gather [hbm4b:s29+s4], $0x400, $0x38;
	[tilespmem:$0x1CC00] =	vst v63  }
0x43: {  	_ =	swait.ge [sflag:s22], $0x400  }
0x44: {  	[sflag:s22] =	ssyncset.done $0x0  }
0x45: {  	[sflag:s22] =	ssyncadd.s32 $0xFFFFFC00  }
0x46: {  	[tilespmem:s21], [sflag:$0x1] =	stream.indirect.gather [hbm4b:s1+s24], $0x80, s4, s24, $0xb8;
	[tilespmem:$0x1CC00] =	vst v63  }
0x47: {  	_ =	swait.ge [sflag:s31], $0x4000  }
0x48: {  	[sflag:s31] =	ssyncset.done $0x0  }
0x49: {  	[sflag:s31] =	ssyncadd.s32 $0xFFFFC000  }
0x4a: {  	[tilespmem:s0], [sflag:$0x2] =	stream.indirect.gather [hbm4b:s1+s24], $0x80, s24, s24, $0xb8;
	[tilespmem:$0x1CC00] =	vst v63  }
0x4b: {  	_ = 	snop  }
0x4c: {  	[spmem:s3] =	stream.indirect.scatter.add.f32 [tilespmem:s21], [sflag:$0x3], $0x80, s30, s24, $0xb8;
	[tilespmem:$0x1CC00] =	vst v63  }
0x4d: {  	_ =	swait.ge [sflag:s22], $0x4000  }
0x4e: {  	[sflag:s22] =	ssyncset.done $0x0  }
0x4f: {  	[sflag:s22] =	ssyncadd.s32 $0xFFFFC000  }
0x50: {  	_ =	swait.ge [sflag:s2], $0x4000  }
0x51: {  	[sflag:s2] =	ssyncset.done $0x0  }
0x52: {  	[sflag:s2] =	ssyncadd.s32 $0xFFFFC000  }
0x53: {  	[tilespmem:s21], [sflag:$0x1] =	stream.indirect.gather [hbm4b:s1+s24], $0x80, s6, s24, $0xb8;
	[tilespmem:$0x1CC00] =	vst v63  }
0x54: {  	_ = 	snop  }
0x55: {  	[spmem:s3] =	stream.indirect.scatter.add.f32 [tilespmem:s0], [sflag:$0x3], $0x80, s7, s24, $0xb8;
	[tilespmem:$0x1CC00] =	vst v63  }
0x56: {  	_ =	swait.ge [sflag:s22], $0x4000  }
0x57: {  	[sflag:s22] =	ssyncset.done $0x0  }
0x58: {  	[sflag:s22] =	ssyncadd.s32 $0xFFFFC000  }
0x59: {  	_ =	swait.ge [sflag:s31], $0x4000  }
0x5a: {  	[sflag:s31] =	ssyncset.done $0x0  }
0x5b: {  	[sflag:s31] =	ssyncadd.s32 $0xFFFFC000  }
0x5c: {  	[tilespmem:s0], [sflag:$0x2] =	stream.indirect.gather [hbm4b:s1+s24], $0x80, s8, s24, $0xb8;
	[tilespmem:$0x1CC00] =	vst v63  }
0x5d: {  	_ = 	snop  }
0x5e: {  	[spmem:s3] =	stream.indirect.scatter.add.f32 [tilespmem:s21], [sflag:$0x3], $0x80, s9, s24, $0xb8;
	[tilespmem:$0x1CC00] =	vst v63  }
0x5f: {  	_ =	swait.ge [sflag:s22], $0x4000  }
0x60: {  	[sflag:s22] =	ssyncset.done $0x0  }
0x61: {  	[sflag:s22] =	ssyncadd.s32 $0xFFFFC000  }
0x62: {  	_ =	swait.ge [sflag:s2], $0x4000  }
0x63: {  	[sflag:s2] =	ssyncset.done $0x0  }
0x64: {  	[sflag:s2] =	ssyncadd.s32 $0xFFFFC000  }
0x65: {  	[tilespmem:s21], [sflag:$0x1] =	stream.indirect.gather [hbm4b:s1+s24], $0x80, s10, s24, $0xb8;
	[tilespmem:$0x1CC00] =	vst v63  }
0x66: {  	_ = 	snop  }
0x67: {  	[spmem:s3] =	stream.indirect.scatter.add.f32 [tilespmem:s0], [sflag:$0x3], $0x80, s11, s24, $0xb8;
	[tilespmem:$0x1CC00] =	vst v63  }
0x68: {  	_ =	swait.ge [sflag:s22], $0x4000  }
0x69: {  	[sflag:s22] =	ssyncset.done $0x0  }
0x6a: {  	[sflag:s22] =	ssyncadd.s32 $0xFFFFC000  }
0x6b: {  	_ =	swait.ge [sflag:s31], $0x4000  }
0x6c: {  	[sflag:s31] =	ssyncset.done $0x0  }
0x6d: {  	[sflag:s31] =	ssyncadd.s32 $0xFFFFC000  }
0x6e: {  	[tilespmem:s0], [sflag:$0x2] =	stream.indirect.gather [hbm4b:s1+s24], $0x80, s12, s24, $0xb8;
	[tilespmem:$0x1CC00] =	vst v63  }
0x6f: {  	_ = 	snop  }
0x70: {  	[spmem:s3] =	stream.indirect.scatter.add.f32 [tilespmem:s21], [sflag:$0x3], $0x80, s13, s24, $0xb8;
	[tilespmem:$0x1CC00] =	vst v63  }
0x71: {  	_ =	swait.ge [sflag:s22], $0x4000  }
0x72: {  	[sflag:s22] =	ssyncset.done $0x0  }
0x73: {  	[sflag:s22] =	ssyncadd.s32 $0xFFFFC000  }
0x74: {  	_ =	swait.ge [sflag:s2], $0x4000  }
0x75: {  	[sflag:s2] =	ssyncset.done $0x0  }
0x76: {  	[sflag:s2] =	ssyncadd.s32 $0xFFFFC000  }
0x77: {  	[tilespmem:s21], [sflag:$0x1] =	stream.indirect.gather [hbm4b:s1+s24], $0x80, s14, s24, $0xb8;
	[tilespmem:$0x1CC00] =	vst v63  }
0x78: {  	_ = 	snop  }
0x79: {  	[spmem:s3] =	stream.indirect.scatter.add.f32 [tilespmem:s0], [sflag:$0x3], $0x80, s15, s24, $0xb8;
	[tilespmem:$0x1CC00] =	vst v63  }
0x7a: {  	_ =	swait.ge [sflag:s22], $0x4000  }
0x7b: {  	[sflag:s22] =	ssyncset.done $0x0  }
0x7c: {  	[sflag:s22] =	ssyncadd.s32 $0xFFFFC000  }
0x7d: {  	_ =	swait.ge [sflag:s31], $0x4000  }
0x7e: {  	[sflag:s31] =	ssyncset.done $0x0  }
0x7f: {  	[sflag:s31] =	ssyncadd.s32 $0xFFFFC000  }
0x80: {  	[tilespmem:s0], [sflag:$0x2] =	stream.indirect.gather [hbm4b:s1+s24], $0x80, s16, s24, $0xb8;
	[tilespmem:$0x1CC00] =	vst v63  }
0x81: {  	_ = 	snop  }
0x82: {  	[spmem:s3] =	stream.indirect.scatter.add.f32 [tilespmem:s21], [sflag:$0x3], $0x80, s17, s24, $0xb8;
	[tilespmem:$0x1CC00] =	vst v63  }
0x83: {  	_ =	swait.ge [sflag:s22], $0x4000  }
0x84: {  	[sflag:s22] =	ssyncset.done $0x0  }
0x85: {  	[sflag:s22] =	ssyncadd.s32 $0xFFFFC000  }
0x86: {  	_ =	swait.ge [sflag:s2], $0x4000  }
0x87: {  	[sflag:s2] =	ssyncset.done $0x0  }
0x88: {  	[sflag:s2] =	ssyncadd.s32 $0xFFFFC000  }
0x89: {  	[spmem:s3] =	stream.indirect.scatter.add.f32 [tilespmem:s0], [sflag:$0x3], $0x80, s18, s24, $0xb8;
	[tilespmem:$0x1CC00] =	vst v63  }
0x8a: {  	_ =	swait.ge [sflag:s22], $0x4000  }
0x8b: {  	s25 =	simm.s32 $0x80;
	s26 =	simm.s32 $0x100;
	[sflag:s22] =	ssyncset.done $0x0  }
.LBB2_2:
0x8c: {  	s29 =	sadd.s32 s25, s20  }
0x8d: {  	[sflag:s22] =	ssyncadd.s32 $0xFFFFC000;
	s23 =	smov.u32 s26;
	s28 =	sadd.s32 $0x80, s26  }
0x8e: {  	[tilespmem:s4], [sflag:$0x3] =	stream.linear.gather [hbm4b:s29+s4], $0x400, $0x38;
	[tilespmem:$0x1CC00] =	vst v63  }
0x8f: {  	p0 =	sne.s32 s26, $0x480;
	_ =	swait.ge [sflag:s22], $0x400  }
0x90: {  	[sflag:s22] =	ssyncset.done $0x0  }
0x91: {  	s26 =	sadd.s32 s25, s19;
	s25 =	smov.u32 s23;
	[sflag:s22] =	ssyncadd.s32 $0xFFFFFC00  }
0x92: {  	[tilespmem:s30], [sflag:$0x3] =	stream.linear.gather [hbm4b:s26+s4], $0x400, $0x38;
	[tilespmem:$0x1CC00] =	vst v63  }
0x93: {  	_ =	swait.ge [sflag:s22], $0x400  }
0x94: {  	[sflag:s22] =	ssyncset.done $0x0  }
0x95: {  	[sflag:s22] =	ssyncadd.s32 $0xFFFFFC00  }
0x96: {  	[tilespmem:s21], [sflag:$0x1] =	stream.indirect.gather [hbm4b:s1+s24], $0x80, s4, s24, $0xb8;
	[tilespmem:$0x1CC00] =	vst v63  }
0x97: {  	_ =	swait.ge [sflag:s31], $0x4000  }
0x98: {  	[sflag:s31] =	ssyncset.done $0x0  }
0x99: {  	[sflag:s31] =	ssyncadd.s32 $0xFFFFC000  }
0x9a: {  	[tilespmem:s0], [sflag:$0x2] =	stream.indirect.gather [hbm4b:s1+s24], $0x80, s24, s24, $0xb8;
	[tilespmem:$0x1CC00] =	vst v63  }
0x9b: {  	_ = 	snop  }
0x9c: {  	[spmem:s3] =	stream.indirect.scatter.add.f32 [tilespmem:s21], [sflag:$0x3], $0x80, s30, s24, $0xb8;
	[tilespmem:$0x1CC00] =	vst v63  }
0x9d: {  	_ =	swait.ge [sflag:s22], $0x4000  }
0x9e: {  	[sflag:s22] =	ssyncset.done $0x0  }
0x9f: {  	[sflag:s22] =	ssyncadd.s32 $0xFFFFC000  }
0xa0: {  	_ =	swait.ge [sflag:s2], $0x4000  }
0xa1: {  	[sflag:s2] =	ssyncset.done $0x0  }
0xa2: {  	[sflag:s2] =	ssyncadd.s32 $0xFFFFC000  }
0xa3: {  	[tilespmem:s21], [sflag:$0x1] =	stream.indirect.gather [hbm4b:s1+s24], $0x80, s6, s24, $0xb8;
	[tilespmem:$0x1CC00] =	vst v63  }
0xa4: {  	_ = 	snop  }
0xa5: {  	[spmem:s3] =	stream.indirect.scatter.add.f32 [tilespmem:s0], [sflag:$0x3], $0x80, s7, s24, $0xb8;
	[tilespmem:$0x1CC00] =	vst v63  }
0xa6: {  	_ =	swait.ge [sflag:s22], $0x4000  }
0xa7: {  	[sflag:s22] =	ssyncset.done $0x0  }
0xa8: {  	[sflag:s22] =	ssyncadd.s32 $0xFFFFC000  }
0xa9: {  	_ =	swait.ge [sflag:s31], $0x4000  }
0xaa: {  	[sflag:s31] =	ssyncset.done $0x0  }
0xab: {  	[sflag:s31] =	ssyncadd.s32 $0xFFFFC000  }
0xac: {  	[tilespmem:s0], [sflag:$0x2] =	stream.indirect.gather [hbm4b:s1+s24], $0x80, s8, s24, $0xb8;
	[tilespmem:$0x1CC00] =	vst v63  }
0xad: {  	_ = 	snop  }
0xae: {  	[spmem:s3] =	stream.indirect.scatter.add.f32 [tilespmem:s21], [sflag:$0x3], $0x80, s9, s24, $0xb8;
	[tilespmem:$0x1CC00] =	vst v63  }
0xaf: {  	_ =	swait.ge [sflag:s22], $0x4000  }
0xb0: {  	[sflag:s22] =	ssyncset.done $0x0  }
0xb1: {  	[sflag:s22] =	ssyncadd.s32 $0xFFFFC000  }
0xb2: {  	_ =	swait.ge [sflag:s2], $0x4000  }
0xb3: {  	[sflag:s2] =	ssyncset.done $0x0  }
0xb4: {  	[sflag:s2] =	ssyncadd.s32 $0xFFFFC000  }
0xb5: {  	[tilespmem:s21], [sflag:$0x1] =	stream.indirect.gather [hbm4b:s1+s24], $0x80, s10, s24, $0xb8;
	[tilespmem:$0x1CC00] =	vst v63  }
0xb6: {  	_ = 	snop  }
0xb7: {  	[spmem:s3] =	stream.indirect.scatter.add.f32 [tilespmem:s0], [sflag:$0x3], $0x80, s11, s24, $0xb8;
	[tilespmem:$0x1CC00] =	vst v63  }
0xb8: {  	_ =	swait.ge [sflag:s22], $0x4000  }
0xb9: {  	[sflag:s22] =	ssyncset.done $0x0  }
0xba: {  	[sflag:s22] =	ssyncadd.s32 $0xFFFFC000  }
0xbb: {  	_ =	swait.ge [sflag:s31], $0x4000  }
0xbc: {  	[sflag:s31] =	ssyncset.done $0x0  }
0xbd: {  	[sflag:s31] =	ssyncadd.s32 $0xFFFFC000  }
0xbe: {  	[tilespmem:s0], [sflag:$0x2] =	stream.indirect.gather [hbm4b:s1+s24], $0x80, s12, s24, $0xb8;
	[tilespmem:$0x1CC00] =	vst v63  }
0xbf: {  	_ = 	snop  }
0xc0: {  	[spmem:s3] =	stream.indirect.scatter.add.f32 [tilespmem:s21], [sflag:$0x3], $0x80, s13, s24, $0xb8;
	[tilespmem:$0x1CC00] =	vst v63  }
0xc1: {  	_ =	swait.ge [sflag:s22], $0x4000  }
0xc2: {  	[sflag:s22] =	ssyncset.done $0x0  }
0xc3: {  	[sflag:s22] =	ssyncadd.s32 $0xFFFFC000  }
0xc4: {  	_ =	swait.ge [sflag:s2], $0x4000  }
0xc5: {  	[sflag:s2] =	ssyncset.done $0x0  }
0xc6: {  	[sflag:s2] =	ssyncadd.s32 $0xFFFFC000  }
0xc7: {  	[tilespmem:s21], [sflag:$0x1] =	stream.indirect.gather [hbm4b:s1+s24], $0x80, s14, s24, $0xb8;
	[tilespmem:$0x1CC00] =	vst v63  }
0xc8: {  	_ = 	snop  }
0xc9: {  	[spmem:s3] =	stream.indirect.scatter.add.f32 [tilespmem:s0], [sflag:$0x3], $0x80, s15, s24, $0xb8;
	[tilespmem:$0x1CC00] =	vst v63  }
0xca: {  	_ =	swait.ge [sflag:s22], $0x4000  }
0xcb: {  	[sflag:s22] =	ssyncset.done $0x0  }
0xcc: {  	[sflag:s22] =	ssyncadd.s32 $0xFFFFC000  }
0xcd: {  	_ =	swait.ge [sflag:s31], $0x4000  }
0xce: {  	[sflag:s31] =	ssyncset.done $0x0  }
0xcf: {  	[sflag:s31] =	ssyncadd.s32 $0xFFFFC000  }
0xd0: {  	[tilespmem:s0], [sflag:$0x2] =	stream.indirect.gather [hbm4b:s1+s24], $0x80, s16, s24, $0xb8;
	[tilespmem:$0x1CC00] =	vst v63  }
0xd1: {  	_ = 	snop  }
0xd2: {  	[spmem:s3] =	stream.indirect.scatter.add.f32 [tilespmem:s21], [sflag:$0x3], $0x80, s17, s24, $0xb8;
	[tilespmem:$0x1CC00] =	vst v63  }
0xd3: {  	_ =	swait.ge [sflag:s22], $0x4000  }
0xd4: {  	[sflag:s22] =	ssyncset.done $0x0  }
0xd5: {  	[sflag:s22] =	ssyncadd.s32 $0xFFFFC000  }
0xd6: {  	_ =	swait.ge [sflag:s2], $0x4000  }
.Ltmp0:
0xd7: {  	[sflag:s2] =	ssyncset.done $0x0;
	(pc) =	sbr.rel @p0 .LBB2_2-.Ltmp0, $4  }
0xd8: {  	[sflag:s2] =	ssyncadd.s32 $0xFFFFC000  }
0xd9: {  	[spmem:s3] =	stream.indirect.scatter.add.f32 [tilespmem:s0], [sflag:$0x3], $0x80, s18, s24, $0xb8;
	[tilespmem:$0x1CC00] =	vst v63  }
0xda: {  	_ =	swait.ge [sflag:s22], $0x4000  }
0xdb: {  	s26 =	smov.u32 s28;
	[sflag:s22] =	ssyncset.done $0x0  }
0xdc: {  	s23 =	sadd.s32 s25, s20;
	[sflag:s22] =	ssyncadd.s32 $0xFFFFC000  }
0xdd: {  	[tilespmem:s4], [sflag:$0x3] =	stream.linear.gather [hbm4b:s23+s4], $0x400, $0x38;
	[tilespmem:$0x1CC00] =	vst v63  }
0xde: {  	_ =	swait.ge [sflag:s22], $0x400  }
0xdf: {  	[sflag:s22] =	ssyncset.done $0x0  }
0xe0: {  	s26 =	sadd.s32 s25, s19;
	[sflag:s22] =	ssyncadd.s32 $0xFFFFFC00  }
0xe1: {  	[tilespmem:s30], [sflag:$0x3] =	stream.linear.gather [hbm4b:s26+s4], $0x400, $0x38;
	[tilespmem:$0x1CC00] =	vst v63  }
0xe2: {  	_ =	swait.ge [sflag:s22], $0x400  }
0xe3: {  	[sflag:s22] =	ssyncset.done $0x0  }
0xe4: {  	[sflag:s22] =	ssyncadd.s32 $0xFFFFFC00  }
0xe5: {  	[tilespmem:s21], [sflag:$0x1] =	stream.indirect.gather [hbm4b:s1+s24], $0x80, s4, s24, $0xb8;
	[tilespmem:$0x1CC00] =	vst v63  }
0xe6: {  	_ =	swait.ge [sflag:s31], $0x4000  }
0xe7: {  	[sflag:s31] =	ssyncset.done $0x0  }
0xe8: {  	[sflag:s31] =	ssyncadd.s32 $0xFFFFC000  }
0xe9: {  	[tilespmem:s0], [sflag:$0x2] =	stream.indirect.gather [hbm4b:s1+s24], $0x80, s24, s24, $0xb8;
	[tilespmem:$0x1CC00] =	vst v63  }
0xea: {  	_ = 	snop  }
0xeb: {  	[spmem:s3] =	stream.indirect.scatter.add.f32 [tilespmem:s21], [sflag:$0x3], $0x80, s30, s24, $0xb8;
	[tilespmem:$0x1CC00] =	vst v63  }
0xec: {  	_ =	swait.ge [sflag:s22], $0x4000  }
0xed: {  	[sflag:s22] =	ssyncset.done $0x0  }
0xee: {  	[sflag:s22] =	ssyncadd.s32 $0xFFFFC000  }
0xef: {  	_ =	swait.ge [sflag:s2], $0x4000  }
0xf0: {  	[sflag:s2] =	ssyncset.done $0x0  }
0xf1: {  	[sflag:s2] =	ssyncadd.s32 $0xFFFFC000  }
0xf2: {  	[tilespmem:s21], [sflag:$0x1] =	stream.indirect.gather [hbm4b:s1+s24], $0x80, s6, s24, $0xb8;
	[tilespmem:$0x1CC00] =	vst v63  }
0xf3: {  	_ = 	snop  }
0xf4: {  	[spmem:s3] =	stream.indirect.scatter.add.f32 [tilespmem:s0], [sflag:$0x3], $0x80, s7, s24, $0xb8;
	[tilespmem:$0x1CC00] =	vst v63  }
0xf5: {  	_ =	swait.ge [sflag:s22], $0x4000  }
0xf6: {  	[sflag:s22] =	ssyncset.done $0x0  }
0xf7: {  	[sflag:s22] =	ssyncadd.s32 $0xFFFFC000  }
0xf8: {  	_ =	swait.ge [sflag:s31], $0x4000  }
0xf9: {  	[sflag:s31] =	ssyncset.done $0x0  }
0xfa: {  	[sflag:s31] =	ssyncadd.s32 $0xFFFFC000  }
0xfb: {  	[tilespmem:s0], [sflag:$0x2] =	stream.indirect.gather [hbm4b:s1+s24], $0x80, s8, s24, $0xb8;
	[tilespmem:$0x1CC00] =	vst v63  }
0xfc: {  	_ = 	snop  }
0xfd: {  	[spmem:s3] =	stream.indirect.scatter.add.f32 [tilespmem:s21], [sflag:$0x3], $0x80, s9, s24, $0xb8;
	[tilespmem:$0x1CC00] =	vst v63  }
0xfe: {  	_ =	swait.ge [sflag:s22], $0x4000  }
0xff: {  	[sflag:s22] =	ssyncset.done $0x0  }
0x100: {  	[sflag:s22] =	ssyncadd.s32 $0xFFFFC000  }
0x101: {  	_ =	swait.ge [sflag:s2], $0x4000  }
0x102: {  	[sflag:s2] =	ssyncset.done $0x0  }
0x103: {  	[sflag:s2] =	ssyncadd.s32 $0xFFFFC000  }
0x104: {  	[tilespmem:s21], [sflag:$0x1] =	stream.indirect.gather [hbm4b:s1+s24], $0x80, s10, s24, $0xb8;
	[tilespmem:$0x1CC00] =	vst v63  }
0x105: {  	_ = 	snop  }
0x106: {  	[spmem:s3] =	stream.indirect.scatter.add.f32 [tilespmem:s0], [sflag:$0x3], $0x80, s11, s24, $0xb8;
	[tilespmem:$0x1CC00] =	vst v63  }
0x107: {  	_ =	swait.ge [sflag:s22], $0x4000  }
0x108: {  	[sflag:s22] =	ssyncset.done $0x0  }
0x109: {  	[sflag:s22] =	ssyncadd.s32 $0xFFFFC000  }
0x10a: {  	_ =	swait.ge [sflag:s31], $0x4000  }
0x10b: {  	[sflag:s31] =	ssyncset.done $0x0  }
0x10c: {  	[sflag:s31] =	ssyncadd.s32 $0xFFFFC000  }
0x10d: {  	[tilespmem:s0], [sflag:$0x2] =	stream.indirect.gather [hbm4b:s1+s24], $0x80, s12, s24, $0xb8;
	[tilespmem:$0x1CC00] =	vst v63  }
0x10e: {  	_ = 	snop  }
0x10f: {  	[spmem:s3] =	stream.indirect.scatter.add.f32 [tilespmem:s21], [sflag:$0x3], $0x80, s13, s24, $0xb8;
	[tilespmem:$0x1CC00] =	vst v63  }
0x110: {  	_ =	swait.ge [sflag:s22], $0x4000  }
0x111: {  	[sflag:s22] =	ssyncset.done $0x0  }
0x112: {  	[sflag:s22] =	ssyncadd.s32 $0xFFFFC000  }
0x113: {  	_ =	swait.ge [sflag:s2], $0x4000  }
0x114: {  	[sflag:s2] =	ssyncset.done $0x0  }
0x115: {  	[sflag:s2] =	ssyncadd.s32 $0xFFFFC000  }
0x116: {  	[tilespmem:s21], [sflag:$0x1] =	stream.indirect.gather [hbm4b:s1+s24], $0x80, s14, s24, $0xb8;
	[tilespmem:$0x1CC00] =	vst v63  }
0x117: {  	_ = 	snop  }
0x118: {  	[spmem:s3] =	stream.indirect.scatter.add.f32 [tilespmem:s0], [sflag:$0x3], $0x80, s15, s24, $0xb8;
	[tilespmem:$0x1CC00] =	vst v63  }
0x119: {  	_ =	swait.ge [sflag:s22], $0x4000  }
0x11a: {  	[sflag:s22] =	ssyncset.done $0x0  }
0x11b: {  	[sflag:s22] =	ssyncadd.s32 $0xFFFFC000  }
0x11c: {  	_ =	swait.ge [sflag:s31], $0x4000  }
0x11d: {  	[sflag:s31] =	ssyncset.done $0x0  }
0x11e: {  	[sflag:s31] =	ssyncadd.s32 $0xFFFFC000  }
0x11f: {  	[tilespmem:s0], [sflag:$0x2] =	stream.indirect.gather [hbm4b:s1+s24], $0x80, s16, s24, $0xb8;
	[tilespmem:$0x1CC00] =	vst v63  }
0x120: {  	_ = 	snop  }
0x121: {  	[spmem:s3] =	stream.indirect.scatter.add.f32 [tilespmem:s21], [sflag:$0x3], $0x80, s17, s24, $0xb8;
	[tilespmem:$0x1CC00] =	vst v63  }
0x122: {  	_ =	swait.ge [sflag:s22], $0x4000  }
0x123: {  	[sflag:s22] =	ssyncset.done $0x0  }
0x124: {  	[sflag:s22] =	ssyncadd.s32 $0xFFFFC000  }
0x125: {  	_ =	swait.ge [sflag:s2], $0x4000  }
0x126: {  	[sflag:s2] =	ssyncset.done $0x0  }
0x127: {  	[sflag:s2] =	ssyncadd.s32 $0xFFFFC000  }
0x128: {  	[spmem:s3] =	stream.indirect.scatter.add.f32 [tilespmem:s0], [sflag:$0x3], $0x80, s18, s24, $0xb8;
	[tilespmem:$0x1CC00] =	vst v63  }
0x129: {  	_ =	swait.ge [sflag:s22], $0x4000  }
0x12a: {  	[sflag:s22] =	ssyncset.done $0x0  }
0x12b: {  	[sflag:s22] =	ssyncadd.s32 $0xFFFFC000  }
0x12c: {  	s26 =	simm.s32 $0x800;
	[bflag:$0x0] =	sbarrier.arrive $0xFFFF  }
0x12d: {  	[tilespmem:s21], [sflag:$0x3] =	stream.indirect.gather [spmem:s3], $0x80, s26, s24, $0xb8;
	[tilespmem:$0x1CC00] =	vst v63  }
0x12e: {  	_ =	swait.ge [sflag:s22], $0x4000  }
0x12f: {  	[sflag:s22] =	ssyncset.done $0x0  }
0x130: {  	s23 =	simm.s32 $0x0;
	s29 =	rddreg [dreg:$0x8];
	[sflag:s22] =	ssyncadd.s32 $0xFFFFC000  }
0x131: {  	[hbm4b:s29+s23] =	stream.linear.scatter [tilespmem:s21], [sflag:$0x3], $0x4000, $0x38;
	[tilespmem:$0x1CC00] =	vst v63  }
0x132: {  	_ =	swait.ge [sflag:s22], $0x4000  }
0x133: {  	[sflag:s22] =	ssyncset.done $0x0  }
0x134: {  	s28 =	simm.s32 $0x880;
	[sflag:s22] =	ssyncadd.s32 $0xFFFFC000  }
0x135: {  	[tilespmem:s21], [sflag:$0x3] =	stream.indirect.gather [spmem:s3], $0x80, s28, s24, $0xb8;
	[tilespmem:$0x1CC00] =	vst v63  }
0x136: {  	_ =	swait.ge [sflag:s22], $0x4000  }
0x137: {  	[sflag:s22] =	ssyncset.done $0x0  }
0x138: {  	s5 =	rddreg [dreg:$0x9];
	[sflag:s22] =	ssyncadd.s32 $0xFFFFC000  }
0x139: {  	[hbm4b:s5+s23] =	stream.linear.scatter [tilespmem:s21], [sflag:$0x3], $0x4000, $0x38;
	[tilespmem:$0x1CC00] =	vst v63  }
0x13a: {  	_ =	swait.ge [sflag:s22], $0x4000  }
0x13b: {  	[sflag:s22] =	ssyncset.done $0x0  }
0x13c: {  	s5 =	simm.s32 $0x900;
	[sflag:s22] =	ssyncadd.s32 $0xFFFFC000  }
0x13d: {  	[tilespmem:s21], [sflag:$0x3] =	stream.indirect.gather [spmem:s3], $0x80, s5, s24, $0xb8;
	[tilespmem:$0x1CC00] =	vst v63  }
0x13e: {  	_ =	swait.ge [sflag:s22], $0x4000  }
0x13f: {  	[sflag:s22] =	ssyncset.done $0x0  }
0x140: {  	s29 =	rddreg [dreg:$0xa];
	[sflag:s22] =	ssyncadd.s32 $0xFFFFC000  }
0x141: {  	[hbm4b:s29+s23] =	stream.linear.scatter [tilespmem:s21], [sflag:$0x3], $0x4000, $0x38;
	[tilespmem:$0x1CC00] =	vst v63  }
0x142: {  	_ =	swait.ge [sflag:s22], $0x4000  }
0x143: {  	[sflag:s22] =	ssyncset.done $0x0  }
0x144: {  	s29 =	simm.s32 $0x980;
	[sflag:s22] =	ssyncadd.s32 $0xFFFFC000  }
0x145: {  	[tilespmem:s21], [sflag:$0x3] =	stream.indirect.gather [spmem:s3], $0x80, s29, s24, $0xb8;
	[tilespmem:$0x1CC00] =	vst v63  }
0x146: {  	_ =	swait.ge [sflag:s22], $0x4000  }
0x147: {  	[sflag:s22] =	ssyncset.done $0x0  }
0x148: {  	s29 =	rddreg [dreg:$0xb];
	[sflag:s22] =	ssyncadd.s32 $0xFFFFC000  }
0x149: {  	[hbm4b:s29+s23] =	stream.linear.scatter [tilespmem:s21], [sflag:$0x3], $0x4000, $0x38;
	[tilespmem:$0x1CC00] =	vst v63  }
0x14a: {  	_ =	swait.ge [sflag:s22], $0x4000  }
0x14b: {  	[sflag:s22] =	ssyncset.done $0x0  }
0x14c: {  	s29 =	simm.s32 $0xA00;
	[sflag:s22] =	ssyncadd.s32 $0xFFFFC000  }
0x14d: {  	[tilespmem:s21], [sflag:$0x3] =	stream.indirect.gather [spmem:s3], $0x80, s29, s24, $0xb8;
	[tilespmem:$0x1CC00] =	vst v63  }
0x14e: {  	_ =	swait.ge [sflag:s22], $0x4000  }
0x14f: {  	[sflag:s22] =	ssyncset.done $0x0  }
0x150: {  	s25 =	rddreg [dreg:$0xc];
	[sflag:s22] =	ssyncadd.s32 $0xFFFFC000  }
0x151: {  	[hbm4b:s25+s23] =	stream.linear.scatter [tilespmem:s21], [sflag:$0x3], $0x4000, $0x38;
	[tilespmem:$0x1CC00] =	vst v63  }
0x152: {  	_ =	swait.ge [sflag:s22], $0x4000  }
0x153: {  	[sflag:s22] =	ssyncset.done $0x0  }
0x154: {  	s25 =	rddreg [dreg:$0x5];
	[sflag:s22] =	ssyncadd.s32 $0xFFFFC000  }
0x155: {  	[tilespmem:s21], [sflag:$0x3] =	stream.linear.gather [hbm4b:s25+s23], $0x4000, $0x38;
	[tilespmem:$0x1CC00] =	vst v63  }
0x156: {  	_ =	swait.ge [sflag:s22], $0x4000  }
0x157: {  	[sflag:s22] =	ssyncset.done $0x0  }
0x158: {  	[sflag:s22] =	ssyncadd.s32 $0xFFFFC000  }
0x159: {  	[spmem:s3] =	stream.indirect.scatter [tilespmem:s21], [sflag:$0x3], $0x80, s26, s24, $0xb8;
	[tilespmem:$0x1CC00] =	vst v63  }
0x15a: {  	_ =	swait.ge [sflag:s22], $0x4000  }
0x15b: {  	[sflag:s22] =	ssyncset.done $0x0  }
0x15c: {  	[sflag:s22] =	ssyncadd.s32 $0xFFFFC000  }
0x15d: {  	[spmem:s3] =	stream.indirect.scatter [tilespmem:s21], [sflag:$0x3], $0x80, s28, s24, $0xb8;
	[tilespmem:$0x1CC00] =	vst v63  }
0x15e: {  	_ =	swait.ge [sflag:s22], $0x4000  }
0x15f: {  	[sflag:s22] =	ssyncset.done $0x0  }
0x160: {  	[sflag:s22] =	ssyncadd.s32 $0xFFFFC000  }
0x161: {  	[spmem:s3] =	stream.indirect.scatter [tilespmem:s21], [sflag:$0x3], $0x80, s5, s24, $0xb8;
	[tilespmem:$0x1CC00] =	vst v63  }
0x162: {  	_ =	swait.ge [sflag:s22], $0x4000  }
0x163: {  	[sflag:s22] =	ssyncset.done $0x0  }
0x164: {  	s5 =	simm.s32 $0x980;
	[sflag:s22] =	ssyncadd.s32 $0xFFFFC000  }
0x165: {  	[spmem:s3] =	stream.indirect.scatter [tilespmem:s21], [sflag:$0x3], $0x80, s5, s24, $0xb8;
	[tilespmem:$0x1CC00] =	vst v63  }
0x166: {  	_ =	swait.ge [sflag:s22], $0x4000  }
0x167: {  	[sflag:s22] =	ssyncset.done $0x0  }
0x168: {  	[sflag:s22] =	ssyncadd.s32 $0xFFFFC000  }
0x169: {  	[spmem:s3] =	stream.indirect.scatter [tilespmem:s21], [sflag:$0x3], $0x80, s29, s24, $0xb8;
	[tilespmem:$0x1CC00] =	vst v63  }
0x16a: {  	_ =	swait.ge [sflag:s22], $0x4000  }
0x16b: {  	[sflag:s22] =	ssyncset.done $0x0  }
0x16c: {  	s26 =	rddreg [dreg:$0x6];
	[sflag:s22] =	ssyncadd.s32 $0xFFFFC000  }
0x16d: {  	[tilespmem:s21], [sflag:$0x3] =	stream.linear.gather [hbm4b:s26+s23], $0x4000, $0x38;
	[tilespmem:$0x1CC00] =	vst v63  }
0x16e: {  	_ =	swait.ge [sflag:s22], $0x4000  }
0x16f: {  	[sflag:s22] =	ssyncset.done $0x0  }
0x170: {  	[sflag:s22] =	ssyncadd.s32 $0xFFFFC000  }
0x171: {  	s29 =	sadd.s32 $0x0, s19;
	[bflag:$0x0] =	sbarrier.arrive $0xFFFF  }
0x172: {  	[tilespmem:s30], [sflag:$0x3] =	stream.linear.gather [hbm4b:s29+s4], $0x400, $0x38;
	[tilespmem:$0x1CC00] =	vst v63  }
0x173: {  	_ =	swait.ge [sflag:s22], $0x400  }
0x174: {  	[sflag:s22] =	ssyncset.done $0x0  }
0x175: {  	[sflag:s22] =	ssyncadd.s32 $0xFFFFFC00  }
0x176: {  	[spmem:s3] =	stream.indirect.scatter.add.f32 [tilespmem:s21], [sflag:$0x1], $0x80, s30, s24, $0xb8;
	[tilespmem:$0x1CC00] =	vst v63  }
0x177: {  	_ = 	snop  }
0x178: {  	[spmem:s3] =	stream.indirect.scatter.add.f32 [tilespmem:s21], [sflag:$0x1], $0x80, s7, s24, $0xb8;
	[tilespmem:$0x1CC00] =	vst v63  }
0x179: {  	_ = 	snop  }
0x17a: {  	[spmem:s3] =	stream.indirect.scatter.add.f32 [tilespmem:s21], [sflag:$0x1], $0x80, s9, s24, $0xb8;
	[tilespmem:$0x1CC00] =	vst v63  }
0x17b: {  	_ = 	snop  }
0x17c: {  	[spmem:s3] =	stream.indirect.scatter.add.f32 [tilespmem:s21], [sflag:$0x1], $0x80, s11, s24, $0xb8;
	[tilespmem:$0x1CC00] =	vst v63  }
0x17d: {  	_ = 	snop  }
0x17e: {  	[spmem:s3] =	stream.indirect.scatter.add.f32 [tilespmem:s21], [sflag:$0x1], $0x80, s13, s24, $0xb8;
	[tilespmem:$0x1CC00] =	vst v63  }
0x17f: {  	_ = 	snop  }
0x180: {  	[spmem:s3] =	stream.indirect.scatter.add.f32 [tilespmem:s21], [sflag:$0x1], $0x80, s15, s24, $0xb8;
	[tilespmem:$0x1CC00] =	vst v63  }
0x181: {  	_ = 	snop  }
0x182: {  	[spmem:s3] =	stream.indirect.scatter.add.f32 [tilespmem:s21], [sflag:$0x1], $0x80, s17, s24, $0xb8;
	[tilespmem:$0x1CC00] =	vst v63  }
0x183: {  	_ = 	snop  }
0x184: {  	[spmem:s3] =	stream.indirect.scatter.add.f32 [tilespmem:s21], [sflag:$0x1], $0x80, s18, s24, $0xb8;
	[tilespmem:$0x1CC00] =	vst v63  }
0x185: {  	_ =	swait.ge [sflag:s31], $0x4000  }
0x186: {  	[sflag:s31] =	ssyncset.done $0x0  }
0x187: {  	[sflag:s31] =	ssyncadd.s32 $0xFFFFC000  }
0x188: {  	_ =	swait.ge [sflag:s31], $0x4000  }
0x189: {  	[sflag:s31] =	ssyncset.done $0x0  }
0x18a: {  	[sflag:s31] =	ssyncadd.s32 $0xFFFFC000  }
0x18b: {  	_ =	swait.ge [sflag:s31], $0x4000  }
0x18c: {  	[sflag:s31] =	ssyncset.done $0x0  }
0x18d: {  	[sflag:s31] =	ssyncadd.s32 $0xFFFFC000  }
0x18e: {  	_ =	swait.ge [sflag:s31], $0x4000  }
0x18f: {  	[sflag:s31] =	ssyncset.done $0x0  }
0x190: {  	[sflag:s31] =	ssyncadd.s32 $0xFFFFC000  }
0x191: {  	_ =	swait.ge [sflag:s31], $0x4000  }
0x192: {  	[sflag:s31] =	ssyncset.done $0x0  }
0x193: {  	[sflag:s31] =	ssyncadd.s32 $0xFFFFC000  }
0x194: {  	_ =	swait.ge [sflag:s31], $0x4000  }
0x195: {  	[sflag:s31] =	ssyncset.done $0x0  }
0x196: {  	[sflag:s31] =	ssyncadd.s32 $0xFFFFC000  }
0x197: {  	_ =	swait.ge [sflag:s31], $0x4000  }
0x198: {  	[sflag:s31] =	ssyncset.done $0x0  }
0x199: {  	[sflag:s31] =	ssyncadd.s32 $0xFFFFC000  }
0x19a: {  	_ =	swait.ge [sflag:s31], $0x4000  }
0x19b: {  	s25 =	simm.s32 $0x80;
	s28 =	simm.s32 $0x100;
	[sflag:s31] =	ssyncset.done $0x0  }
.LBB2_4:
0x19c: {  	s23 =	sadd.s32 s25, s19  }
0x19d: {  	[sflag:s31] =	ssyncadd.s32 $0xFFFFC000;
	s25 =	smov.u32 s28;
	s26 =	sadd.s32 $0x80, s28  }
0x19e: {  	[tilespmem:s30], [sflag:$0x3] =	stream.linear.gather [hbm4b:s23+s4], $0x400, $0x38;
	[tilespmem:$0x1CC00] =	vst v63  }
0x19f: {  	p0 =	sne.s32 s28, $0x480;
	_ =	swait.ge [sflag:s22], $0x400  }
0x1a0: {  	[sflag:s22] =	ssyncset.done $0x0  }
0x1a1: {  	[sflag:s22] =	ssyncadd.s32 $0xFFFFFC00  }
0x1a2: {  	[spmem:s3] =	stream.indirect.scatter.add.f32 [tilespmem:s21], [sflag:$0x1], $0x80, s30, s24, $0xb8;
	[tilespmem:$0x1CC00] =	vst v63  }
0x1a3: {  	_ = 	snop  }
0x1a4: {  	[spmem:s3] =	stream.indirect.scatter.add.f32 [tilespmem:s21], [sflag:$0x1], $0x80, s7, s24, $0xb8;
	[tilespmem:$0x1CC00] =	vst v63  }
0x1a5: {  	_ = 	snop  }
0x1a6: {  	[spmem:s3] =	stream.indirect.scatter.add.f32 [tilespmem:s21], [sflag:$0x1], $0x80, s9, s24, $0xb8;
	[tilespmem:$0x1CC00] =	vst v63  }
0x1a7: {  	_ = 	snop  }
0x1a8: {  	[spmem:s3] =	stream.indirect.scatter.add.f32 [tilespmem:s21], [sflag:$0x1], $0x80, s11, s24, $0xb8;
	[tilespmem:$0x1CC00] =	vst v63  }
0x1a9: {  	_ = 	snop  }
0x1aa: {  	[spmem:s3] =	stream.indirect.scatter.add.f32 [tilespmem:s21], [sflag:$0x1], $0x80, s13, s24, $0xb8;
	[tilespmem:$0x1CC00] =	vst v63  }
0x1ab: {  	_ = 	snop  }
0x1ac: {  	[spmem:s3] =	stream.indirect.scatter.add.f32 [tilespmem:s21], [sflag:$0x1], $0x80, s15, s24, $0xb8;
	[tilespmem:$0x1CC00] =	vst v63  }
0x1ad: {  	_ = 	snop  }
0x1ae: {  	[spmem:s3] =	stream.indirect.scatter.add.f32 [tilespmem:s21], [sflag:$0x1], $0x80, s17, s24, $0xb8;
	[tilespmem:$0x1CC00] =	vst v63  }
0x1af: {  	_ = 	snop  }
0x1b0: {  	[spmem:s3] =	stream.indirect.scatter.add.f32 [tilespmem:s21], [sflag:$0x1], $0x80, s18, s24, $0xb8;
	[tilespmem:$0x1CC00] =	vst v63  }
0x1b1: {  	_ =	swait.ge [sflag:s31], $0x4000  }
0x1b2: {  	[sflag:s31] =	ssyncset.done $0x0  }
0x1b3: {  	[sflag:s31] =	ssyncadd.s32 $0xFFFFC000  }
0x1b4: {  	_ =	swait.ge [sflag:s31], $0x4000  }
0x1b5: {  	[sflag:s31] =	ssyncset.done $0x0  }
0x1b6: {  	[sflag:s31] =	ssyncadd.s32 $0xFFFFC000  }
0x1b7: {  	_ =	swait.ge [sflag:s31], $0x4000  }
0x1b8: {  	[sflag:s31] =	ssyncset.done $0x0  }
0x1b9: {  	[sflag:s31] =	ssyncadd.s32 $0xFFFFC000  }
0x1ba: {  	_ =	swait.ge [sflag:s31], $0x4000  }
0x1bb: {  	[sflag:s31] =	ssyncset.done $0x0  }
0x1bc: {  	[sflag:s31] =	ssyncadd.s32 $0xFFFFC000  }
0x1bd: {  	_ =	swait.ge [sflag:s31], $0x4000  }
0x1be: {  	[sflag:s31] =	ssyncset.done $0x0  }
0x1bf: {  	[sflag:s31] =	ssyncadd.s32 $0xFFFFC000  }
0x1c0: {  	_ =	swait.ge [sflag:s31], $0x4000  }
0x1c1: {  	[sflag:s31] =	ssyncset.done $0x0  }
0x1c2: {  	[sflag:s31] =	ssyncadd.s32 $0xFFFFC000  }
.Ltmp1:
0x1c3: {  	_ =	swait.ge [sflag:s31], $0x4000;
	(pc) =	sbr.rel @p0 .LBB2_4-.Ltmp1, $4  }
0x1c4: {  	[sflag:s31] =	ssyncset.done $0x0  }
0x1c5: {  	[sflag:s31] =	ssyncadd.s32 $0xFFFFC000  }
0x1c6: {  	_ =	swait.ge [sflag:s31], $0x4000  }
0x1c7: {  	s28 =	smov.u32 s26;
	[sflag:s31] =	ssyncset.done $0x0  }
0x1c8: {  	s23 =	sadd.s32 s25, s19;
	[sflag:s31] =	ssyncadd.s32 $0xFFFFC000  }
0x1c9: {  	[tilespmem:s30], [sflag:$0x3] =	stream.linear.gather [hbm4b:s23+s4], $0x400, $0x38;
	[tilespmem:$0x1CC00] =	vst v63  }
0x1ca: {  	_ =	swait.ge [sflag:s22], $0x400  }
0x1cb: {  	[sflag:s22] =	ssyncset.done $0x0  }
0x1cc: {  	[sflag:s22] =	ssyncadd.s32 $0xFFFFFC00  }
0x1cd: {  	[spmem:s3] =	stream.indirect.scatter.add.f32 [tilespmem:s21], [sflag:$0x1], $0x80, s30, s24, $0xb8;
	[tilespmem:$0x1CC00] =	vst v63  }
0x1ce: {  	_ = 	snop  }
0x1cf: {  	[spmem:s3] =	stream.indirect.scatter.add.f32 [tilespmem:s21], [sflag:$0x1], $0x80, s7, s24, $0xb8;
	[tilespmem:$0x1CC00] =	vst v63  }
0x1d0: {  	_ = 	snop  }
0x1d1: {  	[spmem:s3] =	stream.indirect.scatter.add.f32 [tilespmem:s21], [sflag:$0x1], $0x80, s9, s24, $0xb8;
	[tilespmem:$0x1CC00] =	vst v63  }
0x1d2: {  	_ = 	snop  }
0x1d3: {  	[spmem:s3] =	stream.indirect.scatter.add.f32 [tilespmem:s21], [sflag:$0x1], $0x80, s11, s24, $0xb8;
	[tilespmem:$0x1CC00] =	vst v63  }
0x1d4: {  	_ = 	snop  }
0x1d5: {  	[spmem:s3] =	stream.indirect.scatter.add.f32 [tilespmem:s21], [sflag:$0x1], $0x80, s13, s24, $0xb8;
	[tilespmem:$0x1CC00] =	vst v63  }
0x1d6: {  	_ = 	snop  }
0x1d7: {  	[spmem:s3] =	stream.indirect.scatter.add.f32 [tilespmem:s21], [sflag:$0x1], $0x80, s15, s24, $0xb8;
	[tilespmem:$0x1CC00] =	vst v63  }
0x1d8: {  	_ = 	snop  }
0x1d9: {  	[spmem:s3] =	stream.indirect.scatter.add.f32 [tilespmem:s21], [sflag:$0x1], $0x80, s17, s24, $0xb8;
	[tilespmem:$0x1CC00] =	vst v63  }
0x1da: {  	_ = 	snop  }
0x1db: {  	[spmem:s3] =	stream.indirect.scatter.add.f32 [tilespmem:s21], [sflag:$0x1], $0x80, s18, s24, $0xb8;
	[tilespmem:$0x1CC00] =	vst v63  }
0x1dc: {  	_ =	swait.ge [sflag:s31], $0x4000  }
0x1dd: {  	[sflag:s31] =	ssyncset.done $0x0  }
0x1de: {  	[sflag:s31] =	ssyncadd.s32 $0xFFFFC000  }
0x1df: {  	_ =	swait.ge [sflag:s31], $0x4000  }
0x1e0: {  	[sflag:s31] =	ssyncset.done $0x0  }
0x1e1: {  	[sflag:s31] =	ssyncadd.s32 $0xFFFFC000  }
0x1e2: {  	_ =	swait.ge [sflag:s31], $0x4000  }
0x1e3: {  	[sflag:s31] =	ssyncset.done $0x0  }
0x1e4: {  	[sflag:s31] =	ssyncadd.s32 $0xFFFFC000  }
0x1e5: {  	_ =	swait.ge [sflag:s31], $0x4000  }
0x1e6: {  	[sflag:s31] =	ssyncset.done $0x0  }
0x1e7: {  	[sflag:s31] =	ssyncadd.s32 $0xFFFFC000  }
0x1e8: {  	_ =	swait.ge [sflag:s31], $0x4000  }
0x1e9: {  	[sflag:s31] =	ssyncset.done $0x0  }
0x1ea: {  	[sflag:s31] =	ssyncadd.s32 $0xFFFFC000  }
0x1eb: {  	_ =	swait.ge [sflag:s31], $0x4000  }
0x1ec: {  	[sflag:s31] =	ssyncset.done $0x0  }
0x1ed: {  	[sflag:s31] =	ssyncadd.s32 $0xFFFFC000  }
0x1ee: {  	_ =	swait.ge [sflag:s31], $0x4000  }
0x1ef: {  	[sflag:s31] =	ssyncset.done $0x0  }
0x1f0: {  	[sflag:s31] =	ssyncadd.s32 $0xFFFFC000  }
0x1f1: {  	_ =	swait.ge [sflag:s31], $0x4000  }
0x1f2: {  	[sflag:s31] =	ssyncset.done $0x0  }
0x1f3: {  	[sflag:s31] =	ssyncadd.s32 $0xFFFFC000  }
0x1f4: {  	s25 =	simm.s32 $0x800;
	[bflag:$0x0] =	sbarrier.arrive $0xFFFF  }
0x1f5: {  	[tilespmem:s21], [sflag:$0x3] =	stream.indirect.gather [spmem:s3], $0x80, s25, s24, $0xb8;
	[tilespmem:$0x1CC00] =	vst v63  }
0x1f6: {  	_ =	swait.ge [sflag:s22], $0x4000  }
0x1f7: {  	[sflag:s22] =	ssyncset.done $0x0  }
0x1f8: {  	s26 =	rddreg [dreg:$0xd];
	[sflag:s22] =	ssyncadd.s32 $0xFFFFC000  }
0x1f9: {  	[hbm4b:s26+s4] =	stream.linear.scatter [tilespmem:s21], [sflag:$0x3], $0x4000, $0x38;
	[tilespmem:$0x1CC00] =	vst v63  }
0x1fa: {  	_ =	swait.ge [sflag:s22], $0x4000  }
0x1fb: {  	[sflag:s22] =	ssyncset.done $0x0  }
0x1fc: {  	s26 =	simm.s32 $0x880;
	[sflag:s22] =	ssyncadd.s32 $0xFFFFC000  }
0x1fd: {  	[tilespmem:s21], [sflag:$0x3] =	stream.indirect.gather [spmem:s3], $0x80, s26, s24, $0xb8;
	[tilespmem:$0x1CC00] =	vst v63  }
0x1fe: {  	_ =	swait.ge [sflag:s22], $0x4000  }
0x1ff: {  	[sflag:s22] =	ssyncset.done $0x0  }
0x200: {  	s26 =	rddreg [dreg:$0xe];
	[sflag:s22] =	ssyncadd.s32 $0xFFFFC000  }
0x201: {  	[hbm4b:s26+s4] =	stream.linear.scatter [tilespmem:s21], [sflag:$0x3], $0x4000, $0x38;
	[tilespmem:$0x1CC00] =	vst v63  }
0x202: {  	_ =	swait.ge [sflag:s22], $0x4000  }
0x203: {  	[sflag:s22] =	ssyncset.done $0x0  }
0x204: {  	s28 =	simm.s32 $0x900;
	[sflag:s22] =	ssyncadd.s32 $0xFFFFC000  }
0x205: {  	[tilespmem:s21], [sflag:$0x3] =	stream.indirect.gather [spmem:s3], $0x80, s28, s24, $0xb8;
	[tilespmem:$0x1CC00] =	vst v63  }
0x206: {  	_ =	swait.ge [sflag:s22], $0x4000  }
0x207: {  	[sflag:s22] =	ssyncset.done $0x0  }
0x208: {  	s26 =	rddreg [dreg:$0xf];
	[sflag:s22] =	ssyncadd.s32 $0xFFFFC000  }
0x209: {  	[hbm4b:s26+s4] =	stream.linear.scatter [tilespmem:s21], [sflag:$0x3], $0x4000, $0x38;
	[tilespmem:$0x1CC00] =	vst v63  }
0x20a: {  	_ =	swait.ge [sflag:s22], $0x4000  }
0x20b: {  	[sflag:s22] =	ssyncset.done $0x0  }
0x20c: {  	[sflag:s22] =	ssyncadd.s32 $0xFFFFC000  }
0x20d: {  	[tilespmem:s21], [sflag:$0x3] =	stream.indirect.gather [spmem:s3], $0x80, s5, s24, $0xb8;
	[tilespmem:$0x1CC00] =	vst v63  }
0x20e: {  	_ =	swait.ge [sflag:s22], $0x4000  }
0x20f: {  	[sflag:s22] =	ssyncset.done $0x0  }
0x210: {  	s26 =	rddreg [dreg:$0x10];
	[sflag:s22] =	ssyncadd.s32 $0xFFFFC000  }
0x211: {  	[hbm4b:s26+s4] =	stream.linear.scatter [tilespmem:s21], [sflag:$0x3], $0x4000, $0x38;
	[tilespmem:$0x1CC00] =	vst v63  }
0x212: {  	_ =	swait.ge [sflag:s22], $0x4000  }
0x213: {  	[sflag:s22] =	ssyncset.done $0x0  }
0x214: {  	s29 =	simm.s32 $0xA00;
	[sflag:s22] =	ssyncadd.s32 $0xFFFFC000  }
0x215: {  	[tilespmem:s21], [sflag:$0x3] =	stream.indirect.gather [spmem:s3], $0x80, s29, s24, $0xb8;
	[tilespmem:$0x1CC00] =	vst v63  }
0x216: {  	_ =	swait.ge [sflag:s22], $0x4000  }
0x217: {  	[sflag:s22] =	ssyncset.done $0x0  }
0x218: {  	s5 =	rddreg [dreg:$0x11];
	[sflag:s22] =	ssyncadd.s32 $0xFFFFC000  }
0x219: {  	[hbm4b:s5+s4] =	stream.linear.scatter [tilespmem:s21], [sflag:$0x3], $0x4000, $0x38;
	[tilespmem:$0x1CC00] =	vst v63  }
0x21a: {  	_ =	swait.ge [sflag:s22], $0x4000  }
0x21b: {  	s23 =	rddreg [dreg:$0x13]  }
0x21c: {  	s5 =	sadd.s32 $0x1, s23;
	s23 =	rddreg [dreg:$0x12]  }
0x21d: {  	p0 =	sne.s32 s5, s23  }
.Ltmp2:
0x21e: {  	_ = 	snop;
	(pc) =	sbr.rel @p0 .LBB2_1-.Ltmp2, $3  }
0x21f: {  	_ =	sdelay $0x1  }
0x220: {  	[sflag:s22] =	ssyncset.done $0x0  }
0x221: {  	s26 =	simm.s32 $0x980;
	[sflag:s22] =	ssyncadd.s32 $0xFFFFC000;
	[dreg:$0x13] =	wrdreg s5  }
0x222: {  	_ =	sfence.sel $0x180000  }
0x223: {  	[bflag:$0x0] =	sbarrier.arrive $0xFFFF  }
0x224: {  	_ =	strace $0x90000047  }
0x225: {  	s0 =	stileid.u32;
	[bflag:$0x2] =	sbarrier.arrive $0xFFFF  }
0x226: {  	p0 =	sne.s32 s0, $0x0;
	s0 =	rddreg [dreg:$0x4]  }
0x227: {  	s0 =	sadd.s32 @!p0 $0x100000, s0  }
0x228: {  	[sflag:s0] =	ssyncadd.tile.s32 @!p0 $0x1;
	_ =	shalt  }
.Lfunc_end2:
_tile_overlayer_lowered:
.L_overlay_start_2:
0x229: {  	(tag) =	ssettag $0x2  }
0x22a: {  	s0 =	rddreg [dreg:$0x0];
	s2 =	stileid.u32  }
0x22b: {  	s1 =	rddreg [dreg:$0x1];
	p0 =	sne.s32 s2, $0x0  }
0x22c: {  	s3 =	rddreg [dreg:$0x2];
	[bflag:$0x3] =	sbarrier.arrive $0xFFFF;
	s2 =	simm.s32 @!p0 $0x1C03  }
0x22d: {  	[timem:s3], [sflag:s2] =	dma.local @!p0 [hbm:s0], s1  }
0x22e: {  	s0 =	simm.s32 @!p0 $0x3  }
0x22f: {  	_ =	swait.ge @!p0 [sflag:s0], s1  }
0x230: {  	s1 =	ssub.s32 @!p0 $0x0, s1;
	[sflag:s0] =	ssyncset.done @!p0 $0x0  }
0x231: {  	[sflag:s0] =	ssyncadd.s32 @!p0 s1  }
0x232: {  	[bflag:$0x3] =	sbarrier.arrive $0xFFFF  }
0x233: {  	_ =	shalt  }

</sc_bundles>
